<compile_context>
chip_gen: v7x
topology: tpu7x:2x2x1
jax: 0.10.2.dev20260603
libtpu: 0.0.44.dev20260713+nightly
codegen_flags: <defaults>
</compile_context>

<pallas_src>
import dataclasses
import functools

import jax
import jax.numpy as jnp
from jax import lax
from jax.experimental import pallas as pl
from jax.experimental.pallas import tpu as pltpu
from jax.experimental.pallas import tpu_sc as plsc

N = 10000
E = 320000
D = 128

NUM_CORES = 2
NUM_SUBCORES = 16
NUM_TILES = NUM_CORES * NUM_SUBCORES
CHUNK = 80
NCH = 125
EPT = CHUNK * NCH
CNT_CHUNK = 128
CNT_NCH = 80
E_PAD = NUM_TILES * CNT_NCH * CNT_CHUNK
N_PAD = 10240
ROWS_PER_TILE = N_PAD // NUM_SUBCORES


def _sc_agg_body(x_hbm, src_hbm, dst_hbm, agg_out,
                 isrc0, isrc1, idst0, idst1,
                 rows0, rows1, sem_g, agg_sh):
    cid = lax.axis_index("c")
    sid = lax.axis_index("s")
    wid = cid * NUM_SUBCORES + sid
    ebase = wid * EPT

    zero16 = jnp.zeros((16,), jnp.float32)

    @pl.loop(0, CHUNK)
    def _(r):
        @pl.loop(0, D // 16)
        def _(c):
            rows0[r, pl.ds(c * 16, 16)] = zero16

    @pl.loop(0, ROWS_PER_TILE // CHUNK)
    def _(k):
        pltpu.sync_copy(rows0, agg_sh.at[pl.ds(sid * ROWS_PER_TILE + k * CHUNK, CHUNK)])

    plsc.subcore_barrier()

    def load(hbm, j, buf):
        pltpu.sync_copy(hbm.at[pl.ds(ebase + j * CHUNK, CHUNK)], buf)

    def gather(idx_buf, dst_buf):
        return pltpu.async_copy(x_hbm.at[idx_buf], dst_buf, sem_g)

    def scatter(buf, idx_buf):
        pltpu.sync_copy(buf, agg_sh.at[idx_buf], add=True)

    load(src_hbm, 0, isrc0)
    load(dst_hbm, 0, idst0)
    pltpu.sync_copy(x_hbm.at[isrc0], rows0)
    load(src_hbm, 1, isrc1)
    load(dst_hbm, 1, idst1)

    @pl.loop(0, NCH // 2)
    def _(jj):
        j = jj * 2
        cp1 = gather(isrc1, rows1)
        scatter(rows0, idst0)
        load(src_hbm, jnp.minimum(j + 2, NCH - 1), isrc0)
        load(dst_hbm, jnp.minimum(j + 2, NCH - 1), idst0)
        cp1.wait()
        cp2 = gather(isrc0, rows0)
        scatter(rows1, idst1)
        load(src_hbm, jnp.minimum(j + 3, NCH - 1), isrc1)
        load(dst_hbm, jnp.minimum(j + 3, NCH - 1), idst1)
        cp2.wait()

    scatter(rows0, idst0)

    plsc.subcore_barrier()

    pltpu.sync_copy(agg_sh.at[pl.ds(sid * ROWS_PER_TILE, ROWS_PER_TILE)],
                    agg_out.at[cid, pl.ds(sid * ROWS_PER_TILE, ROWS_PER_TILE)])


def _sc_count_body(dst_hbm, cnt_out, idx_dst, cnt_local):
    cid = lax.axis_index("c")
    sid = lax.axis_index("s")
    wid = cid * NUM_SUBCORES + sid

    zero16 = jnp.zeros((16,), jnp.float32)
    zeros16i = jnp.zeros((16,), jnp.int32)
    ones16 = jnp.ones((16,), jnp.float32)

    @pl.loop(0, N_PAD // 16)
    def _(r):
        cnt_local[0, pl.ds(r * 16, 16)] = zero16

    pltpu.sync_copy(dst_hbm.at[wid], idx_dst)

    @pl.loop(0, CNT_NCH)
    def _(j):
        @pl.loop(0, CNT_CHUNK // 16)
        def _(t):
            idx16 = idx_dst[j, pl.ds(t * 16, 16)]
            plsc.addupdate_scatter(cnt_local, [zeros16i, idx16], ones16)

    pltpu.sync_copy(cnt_local, cnt_out.at[wid])


_SC_MESH = plsc.VectorSubcoreMesh(core_axis_name="c", subcore_axis_name="s")

_SC_CP = pltpu.CompilerParams()
if "needs_layout_passes" in pltpu.CompilerParams.__dataclass_fields__:
    _SC_CP = dataclasses.replace(_SC_CP, needs_layout_passes=False)

_sc_agg = pl.kernel(
    _sc_agg_body,
    out_type=jax.ShapeDtypeStruct((NUM_CORES, N_PAD, D), jnp.float32),
    mesh=_SC_MESH,
    scratch_types=[
        pltpu.VMEM((CHUNK,), jnp.int32),
        pltpu.VMEM((CHUNK,), jnp.int32),
        pltpu.VMEM((CHUNK,), jnp.int32),
        pltpu.VMEM((CHUNK,), jnp.int32),
        pltpu.VMEM((CHUNK, D), jnp.float32),
        pltpu.VMEM((CHUNK, D), jnp.float32),
        pltpu.SemaphoreType.DMA,
        pltpu.VMEM_SHARED((N_PAD, D), jnp.float32),
    ],
)

_sc_count = pl.kernel(
    _sc_count_body,
    out_type=jax.ShapeDtypeStruct((NUM_TILES, 1, N_PAD), jnp.float32),
    mesh=_SC_MESH,
    scratch_types=[
        pltpu.VMEM((CNT_NCH, CNT_CHUNK), jnp.int32),
        pltpu.VMEM((1, N_PAD), jnp.float32),
    ],
    compiler_params=_SC_CP,
)

_RB = 400


def _finish_body(relu, agg_ref, cnt_ref, x_ref, wl_ref, bl_ref, wr_ref, o_ref):
    agg = agg_ref[0] + agg_ref[1]
    cnt = jnp.sum(cnt_ref[...], axis=1, keepdims=True)
    mean = agg * (1.0 / jnp.maximum(cnt, 1.0))
    z = lax.dot_general(mean, wl_ref[...], (((1,), (1,)), ((), ())),
                        preferred_element_type=jnp.float32)
    z = z + bl_ref[...]
    z = z + lax.dot_general(x_ref[...], wr_ref[...], (((1,), (1,)), ((), ())),
                            preferred_element_type=jnp.float32)
    o_ref[...] = jnp.maximum(z, 0.0) if relu else z


def _make_finish(relu):
    return pl.pallas_call(
        functools.partial(_finish_body, relu),
        grid=(N // _RB,),
        in_specs=[
            pl.BlockSpec((NUM_CORES, _RB, D), lambda i: (0, i, 0)),
            pl.BlockSpec((_RB, NUM_TILES), lambda i: (i, 0)),
            pl.BlockSpec((_RB, D), lambda i: (i, 0)),
            pl.BlockSpec((D, D), lambda i: (0, 0)),
            pl.BlockSpec((1, D), lambda i: (0, 0)),
            pl.BlockSpec((D, D), lambda i: (0, 0)),
        ],
        out_specs=pl.BlockSpec((_RB, D), lambda i: (i, 0)),
        out_shape=jax.ShapeDtypeStruct((N, D), jnp.float32),
    )


_finish_relu = _make_finish(True)
_finish_plain = _make_finish(False)


def kernel(x, edge_index, Wl1, bl1, Wr1, Wl2, bl2, Wr2):
    src = edge_index[0]
    dst = edge_index[1]
    dst3d = jnp.concatenate(
        [dst, jnp.full((E_PAD - E,), N_PAD - 1, jnp.int32)]
    ).reshape(NUM_TILES, CNT_NCH, CNT_CHUNK)
    cntT = _sc_count(dst3d).reshape(NUM_TILES, N_PAD)[:, :N].T
    agg1 = _sc_agg(x, src, dst)
    h = _finish_relu(agg1, cntT, x, Wl1, bl1.reshape(1, D), Wr1)
    agg2 = _sc_agg(h, src, dst)
    return _finish_plain(agg2, cntT, h, Wl2, bl2.reshape(1, D), Wr2)

# --- scband reference (transcript-rebuilt; emitter-appended) ---
"""Pipeline reference for scband-sage-3186865734220 (READ-ONLY COPY).

The authoritative reference and input builder live on the scoring server;
editing this copy changes nothing except your own understanding.
"""

import jax, jax.numpy as jnp
import numpy as np

N = 10000
E = 320000
D_IN = 128
D_HID = 128
D_OUT = 128


def setup_inputs(seed: int = 0) -> dict:
    key = jax.random.key(seed)
    ks = jax.random.split(key, 9)
    x = jax.random.normal(ks[0], (N, D_IN), dtype=jnp.float32)
    edge_index = jax.random.randint(ks[1], (2, E), 0, N, dtype=jnp.int32)
    s1 = 1.0 / np.sqrt(D_IN)
    s2 = 1.0 / np.sqrt(D_HID)
    # Layer 1: SAGEConv(in=128, hidden=128). lin_l (neighbors, with bias), lin_r (root, no bias)
    Wl1 = jax.random.uniform(ks[2], (D_HID, D_IN), dtype=jnp.float32, minval=-s1, maxval=s1)
    bl1 = jax.random.uniform(ks[3], (D_HID,), dtype=jnp.float32, minval=-s1, maxval=s1)
    Wr1 = jax.random.uniform(ks[4], (D_HID, D_IN), dtype=jnp.float32, minval=-s1, maxval=s1)
    # Layer 2: SAGEConv(hidden=128, out=128)
    Wl2 = jax.random.uniform(ks[5], (D_OUT, D_HID), dtype=jnp.float32, minval=-s2, maxval=s2)
    bl2 = jax.random.uniform(ks[6], (D_OUT,), dtype=jnp.float32, minval=-s2, maxval=s2)
    Wr2 = jax.random.uniform(ks[7], (D_OUT, D_HID), dtype=jnp.float32, minval=-s2, maxval=s2)
    return {"x": x, "edge_index": edge_index, "Wl1": Wl1, "bl1": bl1, "Wr1": Wr1,
            "Wl2": Wl2, "bl2": bl2, "Wr2": Wr2}


def _sage_conv(x, src, dst, Wl, bl, Wr):
    # message = x[src]; mean-aggregate at dst; out = lin_l(mean_agg) + lin_r(x)
    msg = jnp.take(x, src, axis=0)
    agg_sum = jax.ops.segment_sum(msg, dst, num_segments=N)
    cnt = jax.ops.segment_sum(jnp.ones((E,), dtype=x.dtype), dst, num_segments=N)
    mean_agg = agg_sum / jnp.clip(cnt, 1.0)[:, None]
    return mean_agg @ Wl.T + bl + x @ Wr.T


def reference(x, edge_index, Wl1, bl1, Wr1, Wl2, bl2, Wr2):
    src = edge_index[0]
    dst = edge_index[1]
    h = _sage_conv(x, src, dst, Wl1, bl1, Wr1)
    h = jax.nn.relu(h)
    # dropout p=0.5 is identity in eval mode
    out = _sage_conv(h, src, dst, Wl2, bl2, Wr2)
    return out

if __name__ == "__main__":
    import jax
    _d = setup_inputs()
    print(jax.jit(kernel)(*tuple(_d.values())))

</pallas_src>

<mosaic_0001>
#map = affine_map<(d0, d1) -> (0, 0)>
#map1 = affine_map<(d0, d1) -> (0)>
#map2 = affine_map<(d0, d1) -> (0, 0, 0)>
module attributes {stable_mosaic.version = 14 : i64} {
  func.func @_sc_agg_body(%arg0: i32, %arg1: i32, %arg2: memref<10000x128xf32, #tpu.memory_space<hbm>>, %arg3: memref<320000xi32, #tpu.memory_space<hbm>>, %arg4: memref<320000xi32, #tpu.memory_space<hbm>>, %arg5: memref<2x10240x128xf32, #tpu.memory_space<hbm>>, %arg6: memref<80xi32, #tpu.memory_space<vmem>>, %arg7: memref<80xi32, #tpu.memory_space<vmem>>, %arg8: memref<80xi32, #tpu.memory_space<vmem>>, %arg9: memref<80xi32, #tpu.memory_space<vmem>>, %arg10: memref<80x128xf32, #tpu.memory_space<vmem>>, %arg11: memref<80x128xf32, #tpu.memory_space<vmem>>, %arg12: memref<!tpu.dma_semaphore, #tpu.memory_space<semaphore_mem>>, %arg13: memref<10240x128xf32, #tpu.memory_space<vmem_shared>>) attributes {dimension_semantics = [#tpu.dimension_semantics<core_parallel>, #tpu.dimension_semantics<subcore_parallel>], iteration_bounds = array<i64: 2, 16>, scalar_prefetch = 0 : i64, scratch_operands = 8 : i64, tpu.core_type = #tpu.core_type<sc_vector_subcore>, window_params = [{transform_indices = #map}, {transform_indices = #map1}, {transform_indices = #map1}, {transform_indices = #map2}]} {
    %mul3A = arith.constant 16 : i32
    %mul3A_0 = arith.muli %arg0, %mul3A : i32
    %add3A = arith.addi %mul3A_0, %arg1 : i32
    %mul3A_1 = arith.constant 10000 : i32
    %mul3A_2 = arith.muli %add3A, %mul3A_1 : i32
    %broadcast_in_dim3A = arith.constant 0.000000e+00 : f32
    %broadcast_in_dim3A_3 = vector.broadcast %broadcast_in_dim3A : f32 to vector<16xf32>
    %scan3A = arith.constant 0 : i32
    %scan3A_4 = arith.constant 80 : i32
    %scan3A_5 = arith.addi %scan3A, %scan3A_4 : i32
    %scan3A_6 = arith.constant 1 : i32
    scf.for %scan3A_31 = %scan3A to %scan3A_5 step %scan3A_6  : i32 {
      %mul3A_32 = arith.constant 1 : i32
      %mul3A_33 = arith.muli %scan3A_31, %mul3A_32 : i32
      %add3A_34 = arith.constant 0 : i32
      %add3A_35 = arith.addi %add3A_34, %mul3A_33 : i32
      %scan3A_36 = arith.constant 0 : i32
      %scan3A_37 = arith.constant 8 : i32
      %scan3A_38 = arith.addi %scan3A_36, %scan3A_37 : i32
      %scan3A_39 = arith.constant 1 : i32
      scf.for %scan3A_41 = %scan3A_36 to %scan3A_38 step %scan3A_39  : i32 {
        %mul3A_42 = arith.constant 1 : i32
        %mul3A_43 = arith.muli %scan3A_41, %mul3A_42 : i32
        %add3A_44 = arith.constant 0 : i32
        %add3A_45 = arith.addi %add3A_44, %mul3A_43 : i32
        %mul3A_46 = arith.constant 16 : i32
        %mul3A_47 = arith.muli %add3A_45, %mul3A_46 : i32
        %swap3A = arith.index_cast %add3A_35 : i32 to index
        %swap3A_48 = arith.index_cast %mul3A_47 : i32 to index
        %swap3A_49 = tpu.vector_load %arg10[%swap3A, %swap3A_48] {strides = array<i32>} : memref<80x128xf32, #tpu.memory_space<vmem>>, vector<1x16xf32>,
        %swap3A_50 = vector.shape_cast %swap3A_49 : vector<1x16xf32> to vector<16xf32>
        %swap3A_51 = vector.shape_cast %broadcast_in_dim3A_3 : vector<16xf32> to vector<1x16xf32>
        tpu.vector_store %arg10[%swap3A, %swap3A_48], %swap3A_51 {strides = array<i32>} : memref<80x128xf32, #tpu.memory_space<vmem>>, vector<1x16xf32>,
      }
      %scan3A_40 = arith.constant 8 : i32
    }
    %scan3A_7 = arith.constant 80 : i32
    %scan3A_8 = arith.constant 0 : i32
    %scan3A_9 = arith.constant 8 : i32
    %scan3A_10 = arith.addi %scan3A_8, %scan3A_9 : i32
    %scan3A_11 = arith.constant 1 : i32
    scf.for %scan3A_31 = %scan3A_8 to %scan3A_10 step %scan3A_11  : i32 {
      %mul3A_32 = arith.constant 1 : i32
      %mul3A_33 = arith.muli %scan3A_31, %mul3A_32 : i32
      %add3A_34 = arith.constant 0 : i32
      %add3A_35 = arith.addi %add3A_34, %mul3A_33 : i32
      %mul3A_36 = arith.constant 640 : i32
      %mul3A_37 = arith.muli %arg1, %mul3A_36 : i32
      %mul3A_38 = arith.constant 80 : i32
      %mul3A_39 = arith.muli %add3A_35, %mul3A_38 : i32
      %add3A_40 = arith.addi %mul3A_37, %mul3A_39 : i32
      "tpu.region"() ({
        %run_scoped3A = tpu.sem_alloc : memref<!tpu.dma_semaphore, #tpu.memory_space<semaphore_mem>>
        %dma_start3A = arith.constant 0 : i32
        %dma_start3A_41 = tpu.memref_slice %arg13[%add3A_40, %dma_start3A] : memref<10240x128xf32, #tpu.memory_space<vmem_shared>> -> memref<80x128xf32, #tpu.memory_space<vmem_shared>>
        %dma_start3A_42 = arith.constant 0 : i32
        %dma_start3A_43 = tpu.memref_slice %arg13[%add3A_40, %dma_start3A_42] : memref<10240x128xf32, #tpu.memory_space<vmem_shared>> -> memref<80x128xf32, #tpu.memory_space<vmem_shared>>
        tpu.enqueue_dma source(%arg10 : memref<80x128xf32, #tpu.memory_space<vmem>>) target(%dma_start3A_43 : memref<80x128xf32, #tpu.memory_space<vmem_shared>>) target_semaphore(%run_scoped3A : memref<!tpu.dma_semaphore, #tpu.memory_space<semaphore_mem>>)
        %dma_wait3A = arith.constant 0 : i32
        %dma_wait3A_44 = tpu.memref_slice %arg13[%add3A_40, %dma_wait3A] : memref<10240x128xf32, #tpu.memory_space<vmem_shared>> -> memref<80x128xf32, #tpu.memory_space<vmem_shared>>
        %dma_wait3A_45 = arith.constant 0 : i32
        %dma_wait3A_46 = tpu.memref_slice %arg13[%add3A_40, %dma_wait3A_45] : memref<10240x128xf32, #tpu.memory_space<vmem_shared>> -> memref<80x128xf32, #tpu.memory_space<vmem_shared>>
        tpu.wait_dma2 semaphore(%run_scoped3A : memref<!tpu.dma_semaphore, #tpu.memory_space<semaphore_mem>>) src(%arg10 : memref<80x128xf32, #tpu.memory_space<vmem>>) dst(%dma_wait3A_46 : memref<80x128xf32, #tpu.memory_space<vmem_shared>>)
        tpu.yield
      }) : () -> ()
    }
    %scan3A_12 = arith.constant 8 : i32
    %barrier3A = arith.constant 0 : index
    tpu.barrier barrier_id(%barrier3A)
    %add3A_13 = arith.constant 0 : i32
    %add3A_14 = arith.addi %mul3A_2, %add3A_13 : i32
    "tpu.region"() ({
      %run_scoped3A = tpu.sem_alloc : memref<!tpu.dma_semaphore, #tpu.memory_space<semaphore_mem>>
      %dma_start3A = tpu.memref_slice %arg3[%add3A_14] : memref<320000xi32, #tpu.memory_space<hbm>> -> memref<80xi32, #tpu.memory_space<hbm>>
      %dma_start3A_31 = tpu.memref_slice %arg3[%add3A_14] : memref<320000xi32, #tpu.memory_space<hbm>> -> memref<80xi32, #tpu.memory_space<hbm>>
      tpu.enqueue_dma source(%dma_start3A_31 : memref<80xi32, #tpu.memory_space<hbm>>) target(%arg6 : memref<80xi32, #tpu.memory_space<vmem>>) target_semaphore(%run_scoped3A : memref<!tpu.dma_semaphore, #tpu.memory_space<semaphore_mem>>)
      %dma_wait3A = tpu.memref_slice %arg3[%add3A_14] : memref<320000xi32, #tpu.memory_space<hbm>> -> memref<80xi32, #tpu.memory_space<hbm>>
      %dma_wait3A_32 = tpu.memref_slice %arg3[%add3A_14] : memref<320000xi32, #tpu.memory_space<hbm>> -> memref<80xi32, #tpu.memory_space<hbm>>
      tpu.wait_dma2 semaphore(%run_scoped3A : memref<!tpu.dma_semaphore, #tpu.memory_space<semaphore_mem>>) src(%dma_wait3A_32 : memref<80xi32, #tpu.memory_space<hbm>>) dst(%arg6 : memref<80xi32, #tpu.memory_space<vmem>>)
      tpu.yield
    }) : () -> ()
    %add3A_15 = arith.constant 0 : i32
    %add3A_16 = arith.addi %mul3A_2, %add3A_15 : i32
    "tpu.region"() ({
      %run_scoped3A = tpu.sem_alloc : memref<!tpu.dma_semaphore, #tpu.memory_space<semaphore_mem>>
      %dma_start3A = tpu.memref_slice %arg4[%add3A_16] : memref<320000xi32, #tpu.memory_space<hbm>> -> memref<80xi32, #tpu.memory_space<hbm>>
      %dma_start3A_31 = tpu.memref_slice %arg4[%add3A_16] : memref<320000xi32, #tpu.memory_space<hbm>> -> memref<80xi32, #tpu.memory_space<hbm>>
      tpu.enqueue_dma source(%dma_start3A_31 : memref<80xi32, #tpu.memory_space<hbm>>) target(%arg8 : memref<80xi32, #tpu.memory_space<vmem>>) target_semaphore(%run_scoped3A : memref<!tpu.dma_semaphore, #tpu.memory_space<semaphore_mem>>)
      %dma_wait3A = tpu.memref_slice %arg4[%add3A_16] : memref<320000xi32, #tpu.memory_space<hbm>> -> memref<80xi32, #tpu.memory_space<hbm>>
      %dma_wait3A_32 = tpu.memref_slice %arg4[%add3A_16] : memref<320000xi32, #tpu.memory_space<hbm>> -> memref<80xi32, #tpu.memory_space<hbm>>
      tpu.wait_dma2 semaphore(%run_scoped3A : memref<!tpu.dma_semaphore, #tpu.memory_space<semaphore_mem>>) src(%dma_wait3A_32 : memref<80xi32, #tpu.memory_space<hbm>>) dst(%arg8 : memref<80xi32, #tpu.memory_space<vmem>>)
      tpu.yield
    }) : () -> ()
    "tpu.region"() ({
      %run_scoped3A = tpu.sem_alloc : memref<!tpu.dma_semaphore, #tpu.memory_space<semaphore_mem>>
      %dma_start3A = arith.constant 0 : i32
      %dma_start3A_31 = arith.constant 0 : i32
      %dma_start3A_32 = tpu.memref_slice %arg2[%dma_start3A, %dma_start3A_31] : memref<10000x128xf32, #tpu.memory_space<hbm>> -> memref<10000x128xf32, #tpu.memory_space<hbm>>
      tpu.enqueue_indirect_dma source(%dma_start3A_32 : memref<10000x128xf32, #tpu.memory_space<hbm>>) target(%arg10 : memref<80x128xf32, #tpu.memory_space<vmem>>) offsets(%arg6 : memref<80xi32, #tpu.memory_space<vmem>>) semaphore(%run_scoped3A : memref<!tpu.dma_semaphore, #tpu.memory_space<semaphore_mem>>)
      %dma_wait3A = arith.constant 0 : i32
      %dma_wait3A_33 = arith.constant 0 : i32
      %dma_wait3A_34 = tpu.memref_slice %arg2[%dma_wait3A, %dma_wait3A_33] : memref<10000x128xf32, #tpu.memory_space<hbm>> -> memref<10000x128xf32, #tpu.memory_space<hbm>>
      tpu.wait_indirect_dma semaphore(%run_scoped3A : memref<!tpu.dma_semaphore, #tpu.memory_space<semaphore_mem>>) src(%dma_wait3A_34 : memref<10000x128xf32, #tpu.memory_space<hbm>>) dst(%arg10 : memref<80x128xf32, #tpu.memory_space<vmem>>)
      tpu.yield
    }) : () -> ()
    %add3A_17 = arith.constant 80 : i32
    %add3A_18 = arith.addi %mul3A_2, %add3A_17 : i32
    "tpu.region"() ({
      %run_scoped3A = tpu.sem_alloc : memref<!tpu.dma_semaphore, #tpu.memory_space<semaphore_mem>>
      %dma_start3A = tpu.memref_slice %arg3[%add3A_18] : memref<320000xi32, #tpu.memory_space<hbm>> -> memref<80xi32, #tpu.memory_space<hbm>>
      %dma_start3A_31 = tpu.memref_slice %arg3[%add3A_18] : memref<320000xi32, #tpu.memory_space<hbm>> -> memref<80xi32, #tpu.memory_space<hbm>>
      tpu.enqueue_dma source(%dma_start3A_31 : memref<80xi32, #tpu.memory_space<hbm>>) target(%arg7 : memref<80xi32, #tpu.memory_space<vmem>>) target_semaphore(%run_scoped3A : memref<!tpu.dma_semaphore, #tpu.memory_space<semaphore_mem>>)
      %dma_wait3A = tpu.memref_slice %arg3[%add3A_18] : memref<320000xi32, #tpu.memory_space<hbm>> -> memref<80xi32, #tpu.memory_space<hbm>>
      %dma_wait3A_32 = tpu.memref_slice %arg3[%add3A_18] : memref<320000xi32, #tpu.memory_space<hbm>> -> memref<80xi32, #tpu.memory_space<hbm>>
      tpu.wait_dma2 semaphore(%run_scoped3A : memref<!tpu.dma_semaphore, #tpu.memory_space<semaphore_mem>>) src(%dma_wait3A_32 : memref<80xi32, #tpu.memory_space<hbm>>) dst(%arg7 : memref<80xi32, #tpu.memory_space<vmem>>)
      tpu.yield
    }) : () -> ()
    %add3A_19 = arith.constant 80 : i32
    %add3A_20 = arith.addi %mul3A_2, %add3A_19 : i32
    "tpu.region"() ({
      %run_scoped3A = tpu.sem_alloc : memref<!tpu.dma_semaphore, #tpu.memory_space<semaphore_mem>>
      %dma_start3A = tpu.memref_slice %arg4[%add3A_20] : memref<320000xi32, #tpu.memory_space<hbm>> -> memref<80xi32, #tpu.memory_space<hbm>>
      %dma_start3A_31 = tpu.memref_slice %arg4[%add3A_20] : memref<320000xi32, #tpu.memory_space<hbm>> -> memref<80xi32, #tpu.memory_space<hbm>>
      tpu.enqueue_dma source(%dma_start3A_31 : memref<80xi32, #tpu.memory_space<hbm>>) target(%arg9 : memref<80xi32, #tpu.memory_space<vmem>>) target_semaphore(%run_scoped3A : memref<!tpu.dma_semaphore, #tpu.memory_space<semaphore_mem>>)
      %dma_wait3A = tpu.memref_slice %arg4[%add3A_20] : memref<320000xi32, #tpu.memory_space<hbm>> -> memref<80xi32, #tpu.memory_space<hbm>>
      %dma_wait3A_32 = tpu.memref_slice %arg4[%add3A_20] : memref<320000xi32, #tpu.memory_space<hbm>> -> memref<80xi32, #tpu.memory_space<hbm>>
      tpu.wait_dma2 semaphore(%run_scoped3A : memref<!tpu.dma_semaphore, #tpu.memory_space<semaphore_mem>>) src(%dma_wait3A_32 : memref<80xi32, #tpu.memory_space<hbm>>) dst(%arg9 : memref<80xi32, #tpu.memory_space<vmem>>)
      tpu.yield
    }) : () -> ()
    %scan3A_21 = arith.constant 0 : i32
    %scan3A_22 = arith.constant 62 : i32
    %scan3A_23 = arith.addi %scan3A_21, %scan3A_22 : i32
    %scan3A_24 = arith.constant 1 : i32
    scf.for %scan3A_31 = %scan3A_21 to %scan3A_23 step %scan3A_24  : i32 {
      %mul3A_32 = arith.constant 1 : i32
      %mul3A_33 = arith.muli %scan3A_31, %mul3A_32 : i32
      %add3A_34 = arith.constant 0 : i32
      %add3A_35 = arith.addi %add3A_34, %mul3A_33 : i32
      %mul3A_36 = arith.constant 2 : i32
      %mul3A_37 = arith.muli %add3A_35, %mul3A_36 : i32
      %dma_start3A = arith.constant 0 : i32
      %dma_start3A_38 = arith.constant 0 : i32
      %dma_start3A_39 = tpu.memref_slice %arg2[%dma_start3A, %dma_start3A_38] : memref<10000x128xf32, #tpu.memory_space<hbm>> -> memref<10000x128xf32, #tpu.memory_space<hbm>>
      tpu.enqueue_indirect_dma source(%dma_start3A_39 : memref<10000x128xf32, #tpu.memory_space<hbm>>) target(%arg11 : memref<80x128xf32, #tpu.memory_space<vmem>>) offsets(%arg7 : memref<80xi32, #tpu.memory_space<vmem>>) semaphore(%arg12 : memref<!tpu.dma_semaphore, #tpu.memory_space<semaphore_mem>>)
      "tpu.region"() ({
        %run_scoped3A = tpu.sem_alloc : memref<!tpu.dma_semaphore, #tpu.memory_space<semaphore_mem>>
        %dma_start3A_75 = arith.constant 0 : i32
        %dma_start3A_76 = arith.constant 0 : i32
        %dma_start3A_77 = tpu.memref_slice %arg13[%dma_start3A_75, %dma_start3A_76] : memref<10240x128xf32, #tpu.memory_space<vmem_shared>> -> memref<10240x128xf32, #tpu.memory_space<vmem_shared>>
        tpu.enqueue_indirect_dma source(%arg10 : memref<80x128xf32, #tpu.memory_space<vmem>>) target(%dma_start3A_77 : memref<10240x128xf32, #tpu.memory_space<vmem_shared>>) offsets(%arg8 : memref<80xi32, #tpu.memory_space<vmem>>) semaphore(%run_scoped3A : memref<!tpu.dma_semaphore, #tpu.memory_space<semaphore_mem>>) {add = true}
        %dma_wait3A_78 = arith.constant 0 : i32
        %dma_wait3A_79 = arith.constant 0 : i32
        %dma_wait3A_80 = tpu.memref_slice %arg13[%dma_wait3A_78, %dma_wait3A_79] : memref<10240x128xf32, #tpu.memory_space<vmem_shared>> -> memref<10240x128xf32, #tpu.memory_space<vmem_shared>>
        tpu.wait_indirect_dma semaphore(%run_scoped3A : memref<!tpu.dma_semaphore, #tpu.memory_space<semaphore_mem>>) src(%arg10 : memref<80x128xf32, #tpu.memory_space<vmem>>) dst(%dma_wait3A_80 : memref<10240x128xf32, #tpu.memory_space<vmem_shared>>)
        tpu.yield
      }) : () -> ()
      %add3A_40 = arith.constant 2 : i32
      %add3A_41 = arith.addi %mul3A_37, %add3A_40 : i32
      %min3A = arith.constant 124 : i32
      %min3A_42 = arith.minsi %add3A_41, %min3A : i32
      %mul3A_43 = arith.constant 80 : i32
      %mul3A_44 = arith.muli %min3A_42, %mul3A_43 : i32
      %add3A_45 = arith.addi %mul3A_2, %mul3A_44 : i32
      "tpu.region"() ({
        %run_scoped3A = tpu.sem_alloc : memref<!tpu.dma_semaphore, #tpu.memory_space<semaphore_mem>>
        %dma_start3A_75 = tpu.memref_slice %arg3[%add3A_45] : memref<320000xi32, #tpu.memory_space<hbm>> -> memref<80xi32, #tpu.memory_space<hbm>>
        %dma_start3A_76 = tpu.memref_slice %arg3[%add3A_45] : memref<320000xi32, #tpu.memory_space<hbm>> -> memref<80xi32, #tpu.memory_space<hbm>>
        tpu.enqueue_dma source(%dma_start3A_76 : memref<80xi32, #tpu.memory_space<hbm>>) target(%arg6 : memref<80xi32, #tpu.memory_space<vmem>>) target_semaphore(%run_scoped3A : memref<!tpu.dma_semaphore, #tpu.memory_space<semaphore_mem>>)
        %dma_wait3A_77 = tpu.memref_slice %arg3[%add3A_45] : memref<320000xi32, #tpu.memory_space<hbm>> -> memref<80xi32, #tpu.memory_space<hbm>>
        %dma_wait3A_78 = tpu.memref_slice %arg3[%add3A_45] : memref<320000xi32, #tpu.memory_space<hbm>> -> memref<80xi32, #tpu.memory_space<hbm>>
        tpu.wait_dma2 semaphore(%run_scoped3A : memref<!tpu.dma_semaphore, #tpu.memory_space<semaphore_mem>>) src(%dma_wait3A_78 : memref<80xi32, #tpu.memory_space<hbm>>) dst(%arg6 : memref<80xi32, #tpu.memory_space<vmem>>)
        tpu.yield
      }) : () -> ()
      %add3A_46 = arith.constant 2 : i32
      %add3A_47 = arith.addi %mul3A_37, %add3A_46 : i32
      %min3A_48 = arith.constant 124 : i32
      %min3A_49 = arith.minsi %add3A_47, %min3A_48 : i32
      %mul3A_50 = arith.constant 80 : i32
      %mul3A_51 = arith.muli %min3A_49, %mul3A_50 : i32
      %add3A_52 = arith.addi %mul3A_2, %mul3A_51 : i32
      "tpu.region"() ({
        %run_scoped3A = tpu.sem_alloc : memref<!tpu.dma_semaphore, #tpu.memory_space<semaphore_mem>>
        %dma_start3A_75 = tpu.memref_slice %arg4[%add3A_52] : memref<320000xi32, #tpu.memory_space<hbm>> -> memref<80xi32, #tpu.memory_space<hbm>>
        %dma_start3A_76 = tpu.memref_slice %arg4[%add3A_52] : memref<320000xi32, #tpu.memory_space<hbm>> -> memref<80xi32, #tpu.memory_space<hbm>>
        tpu.enqueue_dma source(%dma_start3A_76 : memref<80xi32, #tpu.memory_space<hbm>>) target(%arg8 : memref<80xi32, #tpu.memory_space<vmem>>) target_semaphore(%run_scoped3A : memref<!tpu.dma_semaphore, #tpu.memory_space<semaphore_mem>>)
        %dma_wait3A_77 = tpu.memref_slice %arg4[%add3A_52] : memref<320000xi32, #tpu.memory_space<hbm>> -> memref<80xi32, #tpu.memory_space<hbm>>
        %dma_wait3A_78 = tpu.memref_slice %arg4[%add3A_52] : memref<320000xi32, #tpu.memory_space<hbm>> -> memref<80xi32, #tpu.memory_space<hbm>>
        tpu.wait_dma2 semaphore(%run_scoped3A : memref<!tpu.dma_semaphore, #tpu.memory_space<semaphore_mem>>) src(%dma_wait3A_78 : memref<80xi32, #tpu.memory_space<hbm>>) dst(%arg8 : memref<80xi32, #tpu.memory_space<vmem>>)
        tpu.yield
      }) : () -> ()
      %dma_wait3A = arith.constant 0 : i32
      %dma_wait3A_53 = arith.constant 0 : i32
      %dma_wait3A_54 = tpu.memref_slice %arg2[%dma_wait3A, %dma_wait3A_53] : memref<10000x128xf32, #tpu.memory_space<hbm>> -> memref<10000x128xf32, #tpu.memory_space<hbm>>
      tpu.wait_indirect_dma semaphore(%arg12 : memref<!tpu.dma_semaphore, #tpu.memory_space<semaphore_mem>>) src(%dma_wait3A_54 : memref<10000x128xf32, #tpu.memory_space<hbm>>) dst(%arg11 : memref<80x128xf32, #tpu.memory_space<vmem>>)
      %dma_start3A_55 = arith.constant 0 : i32
      %dma_start3A_56 = arith.constant 0 : i32
      %dma_start3A_57 = tpu.memref_slice %arg2[%dma_start3A_55, %dma_start3A_56] : memref<10000x128xf32, #tpu.memory_space<hbm>> -> memref<10000x128xf32, #tpu.memory_space<hbm>>
      tpu.enqueue_indirect_dma source(%dma_start3A_57 : memref<10000x128xf32, #tpu.memory_space<hbm>>) target(%arg10 : memref<80x128xf32, #tpu.memory_space<vmem>>) offsets(%arg6 : memref<80xi32, #tpu.memory_space<vmem>>) semaphore(%arg12 : memref<!tpu.dma_semaphore, #tpu.memory_space<semaphore_mem>>)
      "tpu.region"() ({
        %run_scoped3A = tpu.sem_alloc : memref<!tpu.dma_semaphore, #tpu.memory_space<semaphore_mem>>
        %dma_start3A_75 = arith.constant 0 : i32
        %dma_start3A_76 = arith.constant 0 : i32
        %dma_start3A_77 = tpu.memref_slice %arg13[%dma_start3A_75, %dma_start3A_76] : memref<10240x128xf32, #tpu.memory_space<vmem_shared>> -> memref<10240x128xf32, #tpu.memory_space<vmem_shared>>
        tpu.enqueue_indirect_dma source(%arg11 : memref<80x128xf32, #tpu.memory_space<vmem>>) target(%dma_start3A_77 : memref<10240x128xf32, #tpu.memory_space<vmem_shared>>) offsets(%arg9 : memref<80xi32, #tpu.memory_space<vmem>>) semaphore(%run_scoped3A : memref<!tpu.dma_semaphore, #tpu.memory_space<semaphore_mem>>) {add = true}
        %dma_wait3A_78 = arith.constant 0 : i32
        %dma_wait3A_79 = arith.constant 0 : i32
        %dma_wait3A_80 = tpu.memref_slice %arg13[%dma_wait3A_78, %dma_wait3A_79] : memref<10240x128xf32, #tpu.memory_space<vmem_shared>> -> memref<10240x128xf32, #tpu.memory_space<vmem_shared>>
        tpu.wait_indirect_dma semaphore(%run_scoped3A : memref<!tpu.dma_semaphore, #tpu.memory_space<semaphore_mem>>) src(%arg11 : memref<80x128xf32, #tpu.memory_space<vmem>>) dst(%dma_wait3A_80 : memref<10240x128xf32, #tpu.memory_space<vmem_shared>>)
        tpu.yield
      }) : () -> ()
      %add3A_58 = arith.constant 3 : i32
      %add3A_59 = arith.addi %mul3A_37, %add3A_58 : i32
      %min3A_60 = arith.constant 124 : i32
      %min3A_61 = arith.minsi %add3A_59, %min3A_60 : i32
      %mul3A_62 = arith.constant 80 : i32
      %mul3A_63 = arith.muli %min3A_61, %mul3A_62 : i32
      %add3A_64 = arith.addi %mul3A_2, %mul3A_63 : i32
      "tpu.region"() ({
        %run_scoped3A = tpu.sem_alloc : memref<!tpu.dma_semaphore, #tpu.memory_space<semaphore_mem>>
        %dma_start3A_75 = tpu.memref_slice %arg3[%add3A_64] : memref<320000xi32, #tpu.memory_space<hbm>> -> memref<80xi32, #tpu.memory_space<hbm>>
        %dma_start3A_76 = tpu.memref_slice %arg3[%add3A_64] : memref<320000xi32, #tpu.memory_space<hbm>> -> memref<80xi32, #tpu.memory_space<hbm>>
        tpu.enqueue_dma source(%dma_start3A_76 : memref<80xi32, #tpu.memory_space<hbm>>) target(%arg7 : memref<80xi32, #tpu.memory_space<vmem>>) target_semaphore(%run_scoped3A : memref<!tpu.dma_semaphore, #tpu.memory_space<semaphore_mem>>)
        %dma_wait3A_77 = tpu.memref_slice %arg3[%add3A_64] : memref<320000xi32, #tpu.memory_space<hbm>> -> memref<80xi32, #tpu.memory_space<hbm>>
        %dma_wait3A_78 = tpu.memref_slice %arg3[%add3A_64] : memref<320000xi32, #tpu.memory_space<hbm>> -> memref<80xi32, #tpu.memory_space<hbm>>
        tpu.wait_dma2 semaphore(%run_scoped3A : memref<!tpu.dma_semaphore, #tpu.memory_space<semaphore_mem>>) src(%dma_wait3A_78 : memref<80xi32, #tpu.memory_space<hbm>>) dst(%arg7 : memref<80xi32, #tpu.memory_space<vmem>>)
        tpu.yield
      }) : () -> ()
      %add3A_65 = arith.constant 3 : i32
      %add3A_66 = arith.addi %mul3A_37, %add3A_65 : i32
      %min3A_67 = arith.constant 124 : i32
      %min3A_68 = arith.minsi %add3A_66, %min3A_67 : i32
      %mul3A_69 = arith.constant 80 : i32
      %mul3A_70 = arith.muli %min3A_68, %mul3A_69 : i32
      %add3A_71 = arith.addi %mul3A_2, %mul3A_70 : i32
      "tpu.region"() ({
        %run_scoped3A = tpu.sem_alloc : memref<!tpu.dma_semaphore, #tpu.memory_space<semaphore_mem>>
        %dma_start3A_75 = tpu.memref_slice %arg4[%add3A_71] : memref<320000xi32, #tpu.memory_space<hbm>> -> memref<80xi32, #tpu.memory_space<hbm>>
        %dma_start3A_76 = tpu.memref_slice %arg4[%add3A_71] : memref<320000xi32, #tpu.memory_space<hbm>> -> memref<80xi32, #tpu.memory_space<hbm>>
        tpu.enqueue_dma source(%dma_start3A_76 : memref<80xi32, #tpu.memory_space<hbm>>) target(%arg9 : memref<80xi32, #tpu.memory_space<vmem>>) target_semaphore(%run_scoped3A : memref<!tpu.dma_semaphore, #tpu.memory_space<semaphore_mem>>)
        %dma_wait3A_77 = tpu.memref_slice %arg4[%add3A_71] : memref<320000xi32, #tpu.memory_space<hbm>> -> memref<80xi32, #tpu.memory_space<hbm>>
        %dma_wait3A_78 = tpu.memref_slice %arg4[%add3A_71] : memref<320000xi32, #tpu.memory_space<hbm>> -> memref<80xi32, #tpu.memory_space<hbm>>
        tpu.wait_dma2 semaphore(%run_scoped3A : memref<!tpu.dma_semaphore, #tpu.memory_space<semaphore_mem>>) src(%dma_wait3A_78 : memref<80xi32, #tpu.memory_space<hbm>>) dst(%arg9 : memref<80xi32, #tpu.memory_space<vmem>>)
        tpu.yield
      }) : () -> ()
      %dma_wait3A_72 = arith.constant 0 : i32
      %dma_wait3A_73 = arith.constant 0 : i32
      %dma_wait3A_74 = tpu.memref_slice %arg2[%dma_wait3A_72, %dma_wait3A_73] : memref<10000x128xf32, #tpu.memory_space<hbm>> -> memref<10000x128xf32, #tpu.memory_space<hbm>>
      tpu.wait_indirect_dma semaphore(%arg12 : memref<!tpu.dma_semaphore, #tpu.memory_space<semaphore_mem>>) src(%dma_wait3A_74 : memref<10000x128xf32, #tpu.memory_space<hbm>>) dst(%arg10 : memref<80x128xf32, #tpu.memory_space<vmem>>)
    }
    %scan3A_25 = arith.constant 62 : i32
    "tpu.region"() ({
      %run_scoped3A = tpu.sem_alloc : memref<!tpu.dma_semaphore, #tpu.memory_space<semaphore_mem>>
      %dma_start3A = arith.constant 0 : i32
      %dma_start3A_31 = arith.constant 0 : i32
      %dma_start3A_32 = tpu.memref_slice %arg13[%dma_start3A, %dma_start3A_31] : memref<10240x128xf32, #tpu.memory_space<vmem_shared>> -> memref<10240x128xf32, #tpu.memory_space<vmem_shared>>
      tpu.enqueue_indirect_dma source(%arg10 : memref<80x128xf32, #tpu.memory_space<vmem>>) target(%dma_start3A_32 : memref<10240x128xf32, #tpu.memory_space<vmem_shared>>) offsets(%arg8 : memref<80xi32, #tpu.memory_space<vmem>>) semaphore(%run_scoped3A : memref<!tpu.dma_semaphore, #tpu.memory_space<semaphore_mem>>) {add = true}
      %dma_wait3A = arith.constant 0 : i32
      %dma_wait3A_33 = arith.constant 0 : i32
      %dma_wait3A_34 = tpu.memref_slice %arg13[%dma_wait3A, %dma_wait3A_33] : memref<10240x128xf32, #tpu.memory_space<vmem_shared>> -> memref<10240x128xf32, #tpu.memory_space<vmem_shared>>
      tpu.wait_indirect_dma semaphore(%run_scoped3A : memref<!tpu.dma_semaphore, #tpu.memory_space<semaphore_mem>>) src(%arg10 : memref<80x128xf32, #tpu.memory_space<vmem>>) dst(%dma_wait3A_34 : memref<10240x128xf32, #tpu.memory_space<vmem_shared>>)
      tpu.yield
    }) : () -> ()
    %barrier3A_26 = arith.constant 0 : index
    tpu.barrier barrier_id(%barrier3A_26)
    %mul3A_27 = arith.constant 640 : i32
    %mul3A_28 = arith.muli %arg1, %mul3A_27 : i32
    %mul3A_29 = arith.constant 640 : i32
    %mul3A_30 = arith.muli %arg1, %mul3A_29 : i32
    "tpu.region"() ({
      %run_scoped3A = tpu.sem_alloc : memref<!tpu.dma_semaphore, #tpu.memory_space<semaphore_mem>>
      %dma_start3A = arith.constant 0 : i32
      %dma_start3A_31 = tpu.memref_slice %arg5[%arg0, %mul3A_30, %dma_start3A] : memref<2x10240x128xf32, #tpu.memory_space<hbm>> -> memref<1x640x128xf32, #tpu.memory_space<hbm>>
      %dma_start3A_32 = tpu.memref_squeeze %dma_start3A_31 : memref<1x640x128xf32, #tpu.memory_space<hbm>> -> memref<640x128xf32, #tpu.memory_space<hbm>>
      %dma_start3A_33 = arith.constant 0 : i32
      %dma_start3A_34 = tpu.memref_slice %arg13[%mul3A_28, %dma_start3A_33] : memref<10240x128xf32, #tpu.memory_space<vmem_shared>> -> memref<640x128xf32, #tpu.memory_space<vmem_shared>>
      tpu.enqueue_dma source(%dma_start3A_34 : memref<640x128xf32, #tpu.memory_space<vmem_shared>>) target(%dma_start3A_32 : memref<640x128xf32, #tpu.memory_space<hbm>>) target_semaphore(%run_scoped3A : memref<!tpu.dma_semaphore, #tpu.memory_space<semaphore_mem>>)
      %dma_wait3A = arith.constant 0 : i32
      %dma_wait3A_35 = tpu.memref_slice %arg5[%arg0, %mul3A_30, %dma_wait3A] : memref<2x10240x128xf32, #tpu.memory_space<hbm>> -> memref<1x640x128xf32, #tpu.memory_space<hbm>>
      %dma_wait3A_36 = tpu.memref_squeeze %dma_wait3A_35 : memref<1x640x128xf32, #tpu.memory_space<hbm>> -> memref<640x128xf32, #tpu.memory_space<hbm>>
      %dma_wait3A_37 = arith.constant 0 : i32
      %dma_wait3A_38 = tpu.memref_slice %arg13[%mul3A_28, %dma_wait3A_37] : memref<10240x128xf32, #tpu.memory_space<vmem_shared>> -> memref<640x128xf32, #tpu.memory_space<vmem_shared>>
      tpu.wait_dma2 semaphore(%run_scoped3A : memref<!tpu.dma_semaphore, #tpu.memory_space<semaphore_mem>>) src(%dma_wait3A_38 : memref<640x128xf32, #tpu.memory_space<vmem_shared>>) dst(%dma_wait3A_36 : memref<640x128xf32, #tpu.memory_space<hbm>>)
      tpu.yield
    }) : () -> ()
    return
  }
}

#map = affine_map<(d0, d1) -> (0, 0, 0)>
module attributes {stable_mosaic.version = 14 : i64} {
  func.func @_sc_count_body(%arg0: i32, %arg1: i32, %arg2: memref<32x80x128xi32, #tpu.memory_space<hbm>>, %arg3: memref<32x1x10240xf32, #tpu.memory_space<hbm>>, %arg4: memref<80x128xi32, #tpu.memory_space<vmem>>, %arg5: memref<1x10240xf32, #tpu.memory_space<vmem>>) attributes {dimension_semantics = [#tpu.dimension_semantics<core_parallel>, #tpu.dimension_semantics<subcore_parallel>], iteration_bounds = array<i64: 2, 16>, scalar_prefetch = 0 : i64, scratch_operands = 2 : i64, tpu.core_type = #tpu.core_type<sc_vector_subcore>, window_params = [{transform_indices = #map}, {transform_indices = #map}]} {
    %mul3A = arith.constant 16 : i32
    %mul3A_0 = arith.muli %arg0, %mul3A : i32
    %add3A = arith.addi %mul3A_0, %arg1 : i32
    %broadcast_in_dim3A = arith.constant 0.000000e+00 : f32
    %broadcast_in_dim3A_1 = vector.broadcast %broadcast_in_dim3A : f32 to vector<16xf32>
    %broadcast_in_dim3A_2 = arith.constant 0 : i32
    %broadcast_in_dim3A_3 = vector.broadcast %broadcast_in_dim3A_2 : i32 to vector<16xi32>
    %broadcast_in_dim3A_4 = arith.constant 1.000000e+00 : f32
    %broadcast_in_dim3A_5 = vector.broadcast %broadcast_in_dim3A_4 : f32 to vector<16xf32>
    %scan3A = arith.constant 0 : i32
    %scan3A_6 = arith.constant 640 : i32
    %scan3A_7 = arith.addi %scan3A, %scan3A_6 : i32
    %scan3A_8 = arith.constant 1 : i32
    scf.for %scan3A_15 = %scan3A to %scan3A_7 step %scan3A_8  : i32 {
      %mul3A_16 = arith.constant 1 : i32
      %mul3A_17 = arith.muli %scan3A_15, %mul3A_16 : i32
      %add3A_18 = arith.constant 0 : i32
      %add3A_19 = arith.addi %add3A_18, %mul3A_17 : i32
      %mul3A_20 = arith.constant 16 : i32
      %mul3A_21 = arith.muli %add3A_19, %mul3A_20 : i32
      %swap3A = arith.constant 0 : i32
      %swap3A_22 = arith.index_cast %swap3A : i32 to index
      %swap3A_23 = arith.index_cast %mul3A_21 : i32 to index
      %swap3A_24 = tpu.vector_load %arg5[%swap3A_22, %swap3A_23] {strides = array<i32>} : memref<1x10240xf32, #tpu.memory_space<vmem>>, vector<16xf32>,
      tpu.vector_store %arg5[%swap3A_22, %swap3A_23], %broadcast_in_dim3A_1 {strides = array<i32>} : memref<1x10240xf32, #tpu.memory_space<vmem>>, vector<16xf32>,
    }
    %scan3A_9 = arith.constant 640 : i32
    "tpu.region"() ({
      %run_scoped3A = tpu.sem_alloc : memref<!tpu.dma_semaphore, #tpu.memory_space<semaphore_mem>>
      %dma_start3A = arith.constant 0 : i32
      %dma_start3A_15 = arith.constant 0 : i32
      %dma_start3A_16 = tpu.memref_slice %arg2[%add3A, %dma_start3A, %dma_start3A_15] : memref<32x80x128xi32, #tpu.memory_space<hbm>> -> memref<1x80x128xi32, #tpu.memory_space<hbm>>
      %dma_start3A_17 = tpu.memref_squeeze %dma_start3A_16 : memref<1x80x128xi32, #tpu.memory_space<hbm>> -> memref<80x128xi32, #tpu.memory_space<hbm>>
      %dma_start3A_18 = arith.constant 0 : i32
      %dma_start3A_19 = arith.constant 0 : i32
      %dma_start3A_20 = tpu.memref_slice %arg2[%add3A, %dma_start3A_18, %dma_start3A_19] : memref<32x80x128xi32, #tpu.memory_space<hbm>> -> memref<1x80x128xi32, #tpu.memory_space<hbm>>
      %dma_start3A_21 = tpu.memref_squeeze %dma_start3A_20 : memref<1x80x128xi32, #tpu.memory_space<hbm>> -> memref<80x128xi32, #tpu.memory_space<hbm>>
      tpu.enqueue_dma source(%dma_start3A_21 : memref<80x128xi32, #tpu.memory_space<hbm>>) target(%arg4 : memref<80x128xi32, #tpu.memory_space<vmem>>) target_semaphore(%run_scoped3A : memref<!tpu.dma_semaphore, #tpu.memory_space<semaphore_mem>>)
      %dma_wait3A = arith.constant 0 : i32
      %dma_wait3A_22 = arith.constant 0 : i32
      %dma_wait3A_23 = tpu.memref_slice %arg2[%add3A, %dma_wait3A, %dma_wait3A_22] : memref<32x80x128xi32, #tpu.memory_space<hbm>> -> memref<1x80x128xi32, #tpu.memory_space<hbm>>
      %dma_wait3A_24 = tpu.memref_squeeze %dma_wait3A_23 : memref<1x80x128xi32, #tpu.memory_space<hbm>> -> memref<80x128xi32, #tpu.memory_space<hbm>>
      %dma_wait3A_25 = arith.constant 0 : i32
      %dma_wait3A_26 = arith.constant 0 : i32
      %dma_wait3A_27 = tpu.memref_slice %arg2[%add3A, %dma_wait3A_25, %dma_wait3A_26] : memref<32x80x128xi32, #tpu.memory_space<hbm>> -> memref<1x80x128xi32, #tpu.memory_space<hbm>>
      %dma_wait3A_28 = tpu.memref_squeeze %dma_wait3A_27 : memref<1x80x128xi32, #tpu.memory_space<hbm>> -> memref<80x128xi32, #tpu.memory_space<hbm>>
      tpu.wait_dma2 semaphore(%run_scoped3A : memref<!tpu.dma_semaphore, #tpu.memory_space<semaphore_mem>>) src(%dma_wait3A_28 : memref<80x128xi32, #tpu.memory_space<hbm>>) dst(%arg4 : memref<80x128xi32, #tpu.memory_space<vmem>>)
      tpu.yield
    }) : () -> ()
    %scan3A_10 = arith.constant 0 : i32
    %scan3A_11 = arith.constant 80 : i32
    %scan3A_12 = arith.addi %scan3A_10, %scan3A_11 : i32
    %scan3A_13 = arith.constant 1 : i32
    scf.for %scan3A_15 = %scan3A_10 to %scan3A_12 step %scan3A_13  : i32 {
      %mul3A_16 = arith.constant 1 : i32
      %mul3A_17 = arith.muli %scan3A_15, %mul3A_16 : i32
      %add3A_18 = arith.constant 0 : i32
      %add3A_19 = arith.addi %add3A_18, %mul3A_17 : i32
      %scan3A_20 = arith.constant 0 : i32
      %scan3A_21 = arith.constant 8 : i32
      %scan3A_22 = arith.addi %scan3A_20, %scan3A_21 : i32
      %scan3A_23 = arith.constant 1 : i32
      scf.for %scan3A_25 = %scan3A_20 to %scan3A_22 step %scan3A_23  : i32 {
        %mul3A_26 = arith.constant 1 : i32
        %mul3A_27 = arith.muli %scan3A_25, %mul3A_26 : i32
        %add3A_28 = arith.constant 0 : i32
        %add3A_29 = arith.addi %add3A_28, %mul3A_27 : i32
        %mul3A_30 = arith.constant 16 : i32
        %mul3A_31 = arith.muli %add3A_29, %mul3A_30 : i32
        %get3A = arith.index_cast %add3A_19 : i32 to index
        %get3A_32 = arith.index_cast %mul3A_31 : i32 to index
        %get3A_33 = tpu.vector_load %arg4[%get3A, %get3A_32] {strides = array<i32>} : memref<80x128xi32, #tpu.memory_space<vmem>>, vector<16xi32>,
        tpu.vector_store_idx %arg5[%broadcast_in_dim3A_3, %get3A_33], %broadcast_in_dim3A_5 {add = true} : memref<1x10240xf32, #tpu.memory_space<vmem>>[vector<16xi32>, vector<16xi32>], vector<16xf32>,
      }
      %scan3A_24 = arith.constant 8 : i32
    }
    %scan3A_14 = arith.constant 80 : i32
    "tpu.region"() ({
      %run_scoped3A = tpu.sem_alloc : memref<!tpu.dma_semaphore, #tpu.memory_space<semaphore_mem>>
      %dma_start3A = arith.constant 0 : i32
      %dma_start3A_15 = arith.constant 0 : i32
      %dma_start3A_16 = tpu.memref_slice %arg3[%add3A, %dma_start3A, %dma_start3A_15] : memref<32x1x10240xf32, #tpu.memory_space<hbm>> -> memref<1x1x10240xf32, #tpu.memory_space<hbm>>
      %dma_start3A_17 = tpu.memref_squeeze %dma_start3A_16 : memref<1x1x10240xf32, #tpu.memory_space<hbm>> -> memref<1x10240xf32, #tpu.memory_space<hbm>>
      %dma_start3A_18 = arith.constant 0 : i32
      %dma_start3A_19 = arith.constant 0 : i32
      %dma_start3A_20 = tpu.memref_slice %arg3[%add3A, %dma_start3A_18, %dma_start3A_19] : memref<32x1x10240xf32, #tpu.memory_space<hbm>> -> memref<1x1x10240xf32, #tpu.memory_space<hbm>>
      %dma_start3A_21 = tpu.memref_squeeze %dma_start3A_20 : memref<1x1x10240xf32, #tpu.memory_space<hbm>> -> memref<1x10240xf32, #tpu.memory_space<hbm>>
      tpu.enqueue_dma source(%arg5 : memref<1x10240xf32, #tpu.memory_space<vmem>>) target(%dma_start3A_21 : memref<1x10240xf32, #tpu.memory_space<hbm>>) target_semaphore(%run_scoped3A : memref<!tpu.dma_semaphore, #tpu.memory_space<semaphore_mem>>)
      %dma_wait3A = arith.constant 0 : i32
      %dma_wait3A_22 = arith.constant 0 : i32
      %dma_wait3A_23 = tpu.memref_slice %arg3[%add3A, %dma_wait3A, %dma_wait3A_22] : memref<32x1x10240xf32, #tpu.memory_space<hbm>> -> memref<1x1x10240xf32, #tpu.memory_space<hbm>>
      %dma_wait3A_24 = tpu.memref_squeeze %dma_wait3A_23 : memref<1x1x10240xf32, #tpu.memory_space<hbm>> -> memref<1x10240xf32, #tpu.memory_space<hbm>>
      %dma_wait3A_25 = arith.constant 0 : i32
      %dma_wait3A_26 = arith.constant 0 : i32
      %dma_wait3A_27 = tpu.memref_slice %arg3[%add3A, %dma_wait3A_25, %dma_wait3A_26] : memref<32x1x10240xf32, #tpu.memory_space<hbm>> -> memref<1x1x10240xf32, #tpu.memory_space<hbm>>
      %dma_wait3A_28 = tpu.memref_squeeze %dma_wait3A_27 : memref<1x1x10240xf32, #tpu.memory_space<hbm>> -> memref<1x10240xf32, #tpu.memory_space<hbm>>
      tpu.wait_dma2 semaphore(%run_scoped3A : memref<!tpu.dma_semaphore, #tpu.memory_space<semaphore_mem>>) src(%arg5 : memref<1x10240xf32, #tpu.memory_space<vmem>>) dst(%dma_wait3A_28 : memref<1x10240xf32, #tpu.memory_space<hbm>>)
      tpu.yield
    }) : () -> ()
    return
  }
}

#map = affine_map<(d0, d1) -> (0, 0)>
#map1 = affine_map<(d0, d1) -> (0)>
#map2 = affine_map<(d0, d1) -> (0, 0, 0)>
module attributes {stable_mosaic.version = 14 : i64} {
  func.func @_sc_agg_body(%arg0: i32, %arg1: i32, %arg2: memref<10000x128xf32, #tpu.memory_space<hbm>>, %arg3: memref<320000xi32, #tpu.memory_space<hbm>>, %arg4: memref<320000xi32, #tpu.memory_space<hbm>>, %arg5: memref<2x10240x128xf32, #tpu.memory_space<hbm>>, %arg6: memref<80xi32, #tpu.memory_space<vmem>>, %arg7: memref<80xi32, #tpu.memory_space<vmem>>, %arg8: memref<80xi32, #tpu.memory_space<vmem>>, %arg9: memref<80xi32, #tpu.memory_space<vmem>>, %arg10: memref<80x128xf32, #tpu.memory_space<vmem>>, %arg11: memref<80x128xf32, #tpu.memory_space<vmem>>, %arg12: memref<!tpu.dma_semaphore, #tpu.memory_space<semaphore_mem>>, %arg13: memref<10240x128xf32, #tpu.memory_space<vmem_shared>>) attributes {dimension_semantics = [#tpu.dimension_semantics<core_parallel>, #tpu.dimension_semantics<subcore_parallel>], iteration_bounds = array<i64: 2, 16>, scalar_prefetch = 0 : i64, scratch_operands = 8 : i64, tpu.core_type = #tpu.core_type<sc_vector_subcore>, window_params = [{transform_indices = #map}, {transform_indices = #map1}, {transform_indices = #map1}, {transform_indices = #map2}]} {
    %mul3A = arith.constant 16 : i32
    %mul3A_0 = arith.muli %arg0, %mul3A : i32
    %add3A = arith.addi %mul3A_0, %arg1 : i32
    %mul3A_1 = arith.constant 10000 : i32
    %mul3A_2 = arith.muli %add3A, %mul3A_1 : i32
    %broadcast_in_dim3A = arith.constant 0.000000e+00 : f32
    %broadcast_in_dim3A_3 = vector.broadcast %broadcast_in_dim3A : f32 to vector<16xf32>
    %scan3A = arith.constant 0 : i32
    %scan3A_4 = arith.constant 80 : i32
    %scan3A_5 = arith.addi %scan3A, %scan3A_4 : i32
    %scan3A_6 = arith.constant 1 : i32
    scf.for %scan3A_31 = %scan3A to %scan3A_5 step %scan3A_6  : i32 {
      %mul3A_32 = arith.constant 1 : i32
      %mul3A_33 = arith.muli %scan3A_31, %mul3A_32 : i32
      %add3A_34 = arith.constant 0 : i32
      %add3A_35 = arith.addi %add3A_34, %mul3A_33 : i32
      %scan3A_36 = arith.constant 0 : i32
      %scan3A_37 = arith.constant 8 : i32
      %scan3A_38 = arith.addi %scan3A_36, %scan3A_37 : i32
      %scan3A_39 = arith.constant 1 : i32
      scf.for %scan3A_41 = %scan3A_36 to %scan3A_38 step %scan3A_39  : i32 {
        %mul3A_42 = arith.constant 1 : i32
        %mul3A_43 = arith.muli %scan3A_41, %mul3A_42 : i32
        %add3A_44 = arith.constant 0 : i32
        %add3A_45 = arith.addi %add3A_44, %mul3A_43 : i32
        %mul3A_46 = arith.constant 16 : i32
        %mul3A_47 = arith.muli %add3A_45, %mul3A_46 : i32
        %swap3A = arith.index_cast %add3A_35 : i32 to index
        %swap3A_48 = arith.index_cast %mul3A_47 : i32 to index
        %swap3A_49 = tpu.vector_load %arg10[%swap3A, %swap3A_48] {strides = array<i32>} : memref<80x128xf32, #tpu.memory_space<vmem>>, vector<1x16xf32>,
        %swap3A_50 = vector.shape_cast %swap3A_49 : vector<1x16xf32> to vector<16xf32>
        %swap3A_51 = vector.shape_cast %broadcast_in_dim3A_3 : vector<16xf32> to vector<1x16xf32>
        tpu.vector_store %arg10[%swap3A, %swap3A_48], %swap3A_51 {strides = array<i32>} : memref<80x128xf32, #tpu.memory_space<vmem>>, vector<1x16xf32>,
      }
      %scan3A_40 = arith.constant 8 : i32
    }
    %scan3A_7 = arith.constant 80 : i32
    %scan3A_8 = arith.constant 0 : i32
    %scan3A_9 = arith.constant 8 : i32
    %scan3A_10 = arith.addi %scan3A_8, %scan3A_9 : i32
    %scan3A_11 = arith.constant 1 : i32
    scf.for %scan3A_31 = %scan3A_8 to %scan3A_10 step %scan3A_11  : i32 {
      %mul3A_32 = arith.constant 1 : i32
      %mul3A_33 = arith.muli %scan3A_31, %mul3A_32 : i32
      %add3A_34 = arith.constant 0 : i32
      %add3A_35 = arith.addi %add3A_34, %mul3A_33 : i32
      %mul3A_36 = arith.constant 640 : i32
      %mul3A_37 = arith.muli %arg1, %mul3A_36 : i32
      %mul3A_38 = arith.constant 80 : i32
      %mul3A_39 = arith.muli %add3A_35, %mul3A_38 : i32
      %add3A_40 = arith.addi %mul3A_37, %mul3A_39 : i32
      "tpu.region"() ({
        %run_scoped3A = tpu.sem_alloc : memref<!tpu.dma_semaphore, #tpu.memory_space<semaphore_mem>>
        %dma_start3A = arith.constant 0 : i32
        %dma_start3A_41 = tpu.memref_slice %arg13[%add3A_40, %dma_start3A] : memref<10240x128xf32, #tpu.memory_space<vmem_shared>> -> memref<80x128xf32, #tpu.memory_space<vmem_shared>>
        %dma_start3A_42 = arith.constant 0 : i32
        %dma_start3A_43 = tpu.memref_slice %arg13[%add3A_40, %dma_start3A_42] : memref<10240x128xf32, #tpu.memory_space<vmem_shared>> -> memref<80x128xf32, #tpu.memory_space<vmem_shared>>
        tpu.enqueue_dma source(%arg10 : memref<80x128xf32, #tpu.memory_space<vmem>>) target(%dma_start3A_43 : memref<80x128xf32, #tpu.memory_space<vmem_shared>>) target_semaphore(%run_scoped3A : memref<!tpu.dma_semaphore, #tpu.memory_space<semaphore_mem>>)
        %dma_wait3A = arith.constant 0 : i32
        %dma_wait3A_44 = tpu.memref_slice %arg13[%add3A_40, %dma_wait3A] : memref<10240x128xf32, #tpu.memory_space<vmem_shared>> -> memref<80x128xf32, #tpu.memory_space<vmem_shared>>
        %dma_wait3A_45 = arith.constant 0 : i32
        %dma_wait3A_46 = tpu.memref_slice %arg13[%add3A_40, %dma_wait3A_45] : memref<10240x128xf32, #tpu.memory_space<vmem_shared>> -> memref<80x128xf32, #tpu.memory_space<vmem_shared>>
        tpu.wait_dma2 semaphore(%run_scoped3A : memref<!tpu.dma_semaphore, #tpu.memory_space<semaphore_mem>>) src(%arg10 : memref<80x128xf32, #tpu.memory_space<vmem>>) dst(%dma_wait3A_46 : memref<80x128xf32, #tpu.memory_space<vmem_shared>>)
        tpu.yield
      }) : () -> ()
    }
    %scan3A_12 = arith.constant 8 : i32
    %barrier3A = arith.constant 0 : index
    tpu.barrier barrier_id(%barrier3A)
    %add3A_13 = arith.constant 0 : i32
    %add3A_14 = arith.addi %mul3A_2, %add3A_13 : i32
    "tpu.region"() ({
      %run_scoped3A = tpu.sem_alloc : memref<!tpu.dma_semaphore, #tpu.memory_space<semaphore_mem>>
      %dma_start3A = tpu.memref_slice %arg3[%add3A_14] : memref<320000xi32, #tpu.memory_space<hbm>> -> memref<80xi32, #tpu.memory_space<hbm>>
      %dma_start3A_31 = tpu.memref_slice %arg3[%add3A_14] : memref<320000xi32, #tpu.memory_space<hbm>> -> memref<80xi32, #tpu.memory_space<hbm>>
      tpu.enqueue_dma source(%dma_start3A_31 : memref<80xi32, #tpu.memory_space<hbm>>) target(%arg6 : memref<80xi32, #tpu.memory_space<vmem>>) target_semaphore(%run_scoped3A : memref<!tpu.dma_semaphore, #tpu.memory_space<semaphore_mem>>)
      %dma_wait3A = tpu.memref_slice %arg3[%add3A_14] : memref<320000xi32, #tpu.memory_space<hbm>> -> memref<80xi32, #tpu.memory_space<hbm>>
      %dma_wait3A_32 = tpu.memref_slice %arg3[%add3A_14] : memref<320000xi32, #tpu.memory_space<hbm>> -> memref<80xi32, #tpu.memory_space<hbm>>
      tpu.wait_dma2 semaphore(%run_scoped3A : memref<!tpu.dma_semaphore, #tpu.memory_space<semaphore_mem>>) src(%dma_wait3A_32 : memref<80xi32, #tpu.memory_space<hbm>>) dst(%arg6 : memref<80xi32, #tpu.memory_space<vmem>>)
      tpu.yield
    }) : () -> ()
    %add3A_15 = arith.constant 0 : i32
    %add3A_16 = arith.addi %mul3A_2, %add3A_15 : i32
    "tpu.region"() ({
      %run_scoped3A = tpu.sem_alloc : memref<!tpu.dma_semaphore, #tpu.memory_space<semaphore_mem>>
      %dma_start3A = tpu.memref_slice %arg4[%add3A_16] : memref<320000xi32, #tpu.memory_space<hbm>> -> memref<80xi32, #tpu.memory_space<hbm>>
      %dma_start3A_31 = tpu.memref_slice %arg4[%add3A_16] : memref<320000xi32, #tpu.memory_space<hbm>> -> memref<80xi32, #tpu.memory_space<hbm>>
      tpu.enqueue_dma source(%dma_start3A_31 : memref<80xi32, #tpu.memory_space<hbm>>) target(%arg8 : memref<80xi32, #tpu.memory_space<vmem>>) target_semaphore(%run_scoped3A : memref<!tpu.dma_semaphore, #tpu.memory_space<semaphore_mem>>)
      %dma_wait3A = tpu.memref_slice %arg4[%add3A_16] : memref<320000xi32, #tpu.memory_space<hbm>> -> memref<80xi32, #tpu.memory_space<hbm>>
      %dma_wait3A_32 = tpu.memref_slice %arg4[%add3A_16] : memref<320000xi32, #tpu.memory_space<hbm>> -> memref<80xi32, #tpu.memory_space<hbm>>
      tpu.wait_dma2 semaphore(%run_scoped3A : memref<!tpu.dma_semaphore, #tpu.memory_space<semaphore_mem>>) src(%dma_wait3A_32 : memref<80xi32, #tpu.memory_space<hbm>>) dst(%arg8 : memref<80xi32, #tpu.memory_space<vmem>>)
      tpu.yield
    }) : () -> ()
    "tpu.region"() ({
      %run_scoped3A = tpu.sem_alloc : memref<!tpu.dma_semaphore, #tpu.memory_space<semaphore_mem>>
      %dma_start3A = arith.constant 0 : i32
      %dma_start3A_31 = arith.constant 0 : i32
      %dma_start3A_32 = tpu.memref_slice %arg2[%dma_start3A, %dma_start3A_31] : memref<10000x128xf32, #tpu.memory_space<hbm>> -> memref<10000x128xf32, #tpu.memory_space<hbm>>
      tpu.enqueue_indirect_dma source(%dma_start3A_32 : memref<10000x128xf32, #tpu.memory_space<hbm>>) target(%arg10 : memref<80x128xf32, #tpu.memory_space<vmem>>) offsets(%arg6 : memref<80xi32, #tpu.memory_space<vmem>>) semaphore(%run_scoped3A : memref<!tpu.dma_semaphore, #tpu.memory_space<semaphore_mem>>)
      %dma_wait3A = arith.constant 0 : i32
      %dma_wait3A_33 = arith.constant 0 : i32
      %dma_wait3A_34 = tpu.memref_slice %arg2[%dma_wait3A, %dma_wait3A_33] : memref<10000x128xf32, #tpu.memory_space<hbm>> -> memref<10000x128xf32, #tpu.memory_space<hbm>>
      tpu.wait_indirect_dma semaphore(%run_scoped3A : memref<!tpu.dma_semaphore, #tpu.memory_space<semaphore_mem>>) src(%dma_wait3A_34 : memref<10000x128xf32, #tpu.memory_space<hbm>>) dst(%arg10 : memref<80x128xf32, #tpu.memory_space<vmem>>)
      tpu.yield
    }) : () -> ()
    %add3A_17 = arith.constant 80 : i32
    %add3A_18 = arith.addi %mul3A_2, %add3A_17 : i32
    "tpu.region"() ({
      %run_scoped3A = tpu.sem_alloc : memref<!tpu.dma_semaphore, #tpu.memory_space<semaphore_mem>>
      %dma_start3A = tpu.memref_slice %arg3[%add3A_18] : memref<320000xi32, #tpu.memory_space<hbm>> -> memref<80xi32, #tpu.memory_space<hbm>>
      %dma_start3A_31 = tpu.memref_slice %arg3[%add3A_18] : memref<320000xi32, #tpu.memory_space<hbm>> -> memref<80xi32, #tpu.memory_space<hbm>>
      tpu.enqueue_dma source(%dma_start3A_31 : memref<80xi32, #tpu.memory_space<hbm>>) target(%arg7 : memref<80xi32, #tpu.memory_space<vmem>>) target_semaphore(%run_scoped3A : memref<!tpu.dma_semaphore, #tpu.memory_space<semaphore_mem>>)
      %dma_wait3A = tpu.memref_slice %arg3[%add3A_18] : memref<320000xi32, #tpu.memory_space<hbm>> -> memref<80xi32, #tpu.memory_space<hbm>>
      %dma_wait3A_32 = tpu.memref_slice %arg3[%add3A_18] : memref<320000xi32, #tpu.memory_space<hbm>> -> memref<80xi32, #tpu.memory_space<hbm>>
      tpu.wait_dma2 semaphore(%run_scoped3A : memref<!tpu.dma_semaphore, #tpu.memory_space<semaphore_mem>>) src(%dma_wait3A_32 : memref<80xi32, #tpu.memory_space<hbm>>) dst(%arg7 : memref<80xi32, #tpu.memory_space<vmem>>)
      tpu.yield
    }) : () -> ()
    %add3A_19 = arith.constant 80 : i32
    %add3A_20 = arith.addi %mul3A_2, %add3A_19 : i32
    "tpu.region"() ({
      %run_scoped3A = tpu.sem_alloc : memref<!tpu.dma_semaphore, #tpu.memory_space<semaphore_mem>>
      %dma_start3A = tpu.memref_slice %arg4[%add3A_20] : memref<320000xi32, #tpu.memory_space<hbm>> -> memref<80xi32, #tpu.memory_space<hbm>>
      %dma_start3A_31 = tpu.memref_slice %arg4[%add3A_20] : memref<320000xi32, #tpu.memory_space<hbm>> -> memref<80xi32, #tpu.memory_space<hbm>>
      tpu.enqueue_dma source(%dma_start3A_31 : memref<80xi32, #tpu.memory_space<hbm>>) target(%arg9 : memref<80xi32, #tpu.memory_space<vmem>>) target_semaphore(%run_scoped3A : memref<!tpu.dma_semaphore, #tpu.memory_space<semaphore_mem>>)
      %dma_wait3A = tpu.memref_slice %arg4[%add3A_20] : memref<320000xi32, #tpu.memory_space<hbm>> -> memref<80xi32, #tpu.memory_space<hbm>>
      %dma_wait3A_32 = tpu.memref_slice %arg4[%add3A_20] : memref<320000xi32, #tpu.memory_space<hbm>> -> memref<80xi32, #tpu.memory_space<hbm>>
      tpu.wait_dma2 semaphore(%run_scoped3A : memref<!tpu.dma_semaphore, #tpu.memory_space<semaphore_mem>>) src(%dma_wait3A_32 : memref<80xi32, #tpu.memory_space<hbm>>) dst(%arg9 : memref<80xi32, #tpu.memory_space<vmem>>)
      tpu.yield
    }) : () -> ()
    %scan3A_21 = arith.constant 0 : i32
    %scan3A_22 = arith.constant 62 : i32
    %scan3A_23 = arith.addi %scan3A_21, %scan3A_22 : i32
    %scan3A_24 = arith.constant 1 : i32
    scf.for %scan3A_31 = %scan3A_21 to %scan3A_23 step %scan3A_24  : i32 {
      %mul3A_32 = arith.constant 1 : i32
      %mul3A_33 = arith.muli %scan3A_31, %mul3A_32 : i32
      %add3A_34 = arith.constant 0 : i32
      %add3A_35 = arith.addi %add3A_34, %mul3A_33 : i32
      %mul3A_36 = arith.constant 2 : i32
      %mul3A_37 = arith.muli %add3A_35, %mul3A_36 : i32
      %dma_start3A = arith.constant 0 : i32
      %dma_start3A_38 = arith.constant 0 : i32
      %dma_start3A_39 = tpu.memref_slice %arg2[%dma_start3A, %dma_start3A_38] : memref<10000x128xf32, #tpu.memory_space<hbm>> -> memref<10000x128xf32, #tpu.memory_space<hbm>>
      tpu.enqueue_indirect_dma source(%dma_start3A_39 : memref<10000x128xf32, #tpu.memory_space<hbm>>) target(%arg11 : memref<80x128xf32, #tpu.memory_space<vmem>>) offsets(%arg7 : memref<80xi32, #tpu.memory_space<vmem>>) semaphore(%arg12 : memref<!tpu.dma_semaphore, #tpu.memory_space<semaphore_mem>>)
      "tpu.region"() ({
        %run_scoped3A = tpu.sem_alloc : memref<!tpu.dma_semaphore, #tpu.memory_space<semaphore_mem>>
        %dma_start3A_75 = arith.constant 0 : i32
        %dma_start3A_76 = arith.constant 0 : i32
        %dma_start3A_77 = tpu.memref_slice %arg13[%dma_start3A_75, %dma_start3A_76] : memref<10240x128xf32, #tpu.memory_space<vmem_shared>> -> memref<10240x128xf32, #tpu.memory_space<vmem_shared>>
        tpu.enqueue_indirect_dma source(%arg10 : memref<80x128xf32, #tpu.memory_space<vmem>>) target(%dma_start3A_77 : memref<10240x128xf32, #tpu.memory_space<vmem_shared>>) offsets(%arg8 : memref<80xi32, #tpu.memory_space<vmem>>) semaphore(%run_scoped3A : memref<!tpu.dma_semaphore, #tpu.memory_space<semaphore_mem>>) {add = true}
        %dma_wait3A_78 = arith.constant 0 : i32
        %dma_wait3A_79 = arith.constant 0 : i32
        %dma_wait3A_80 = tpu.memref_slice %arg13[%dma_wait3A_78, %dma_wait3A_79] : memref<10240x128xf32, #tpu.memory_space<vmem_shared>> -> memref<10240x128xf32, #tpu.memory_space<vmem_shared>>
        tpu.wait_indirect_dma semaphore(%run_scoped3A : memref<!tpu.dma_semaphore, #tpu.memory_space<semaphore_mem>>) src(%arg10 : memref<80x128xf32, #tpu.memory_space<vmem>>) dst(%dma_wait3A_80 : memref<10240x128xf32, #tpu.memory_space<vmem_shared>>)
        tpu.yield
      }) : () -> ()
      %add3A_40 = arith.constant 2 : i32
      %add3A_41 = arith.addi %mul3A_37, %add3A_40 : i32
      %min3A = arith.constant 124 : i32
      %min3A_42 = arith.minsi %add3A_41, %min3A : i32
      %mul3A_43 = arith.constant 80 : i32
      %mul3A_44 = arith.muli %min3A_42, %mul3A_43 : i32
      %add3A_45 = arith.addi %mul3A_2, %mul3A_44 : i32
      "tpu.region"() ({
        %run_scoped3A = tpu.sem_alloc : memref<!tpu.dma_semaphore, #tpu.memory_space<semaphore_mem>>
        %dma_start3A_75 = tpu.memref_slice %arg3[%add3A_45] : memref<320000xi32, #tpu.memory_space<hbm>> -> memref<80xi32, #tpu.memory_space<hbm>>
        %dma_start3A_76 = tpu.memref_slice %arg3[%add3A_45] : memref<320000xi32, #tpu.memory_space<hbm>> -> memref<80xi32, #tpu.memory_space<hbm>>
        tpu.enqueue_dma source(%dma_start3A_76 : memref<80xi32, #tpu.memory_space<hbm>>) target(%arg6 : memref<80xi32, #tpu.memory_space<vmem>>) target_semaphore(%run_scoped3A : memref<!tpu.dma_semaphore, #tpu.memory_space<semaphore_mem>>)
        %dma_wait3A_77 = tpu.memref_slice %arg3[%add3A_45] : memref<320000xi32, #tpu.memory_space<hbm>> -> memref<80xi32, #tpu.memory_space<hbm>>
        %dma_wait3A_78 = tpu.memref_slice %arg3[%add3A_45] : memref<320000xi32, #tpu.memory_space<hbm>> -> memref<80xi32, #tpu.memory_space<hbm>>
        tpu.wait_dma2 semaphore(%run_scoped3A : memref<!tpu.dma_semaphore, #tpu.memory_space<semaphore_mem>>) src(%dma_wait3A_78 : memref<80xi32, #tpu.memory_space<hbm>>) dst(%arg6 : memref<80xi32, #tpu.memory_space<vmem>>)
        tpu.yield
      }) : () -> ()
      %add3A_46 = arith.constant 2 : i32
      %add3A_47 = arith.addi %mul3A_37, %add3A_46 : i32
      %min3A_48 = arith.constant 124 : i32
      %min3A_49 = arith.minsi %add3A_47, %min3A_48 : i32
      %mul3A_50 = arith.constant 80 : i32
      %mul3A_51 = arith.muli %min3A_49, %mul3A_50 : i32
      %add3A_52 = arith.addi %mul3A_2, %mul3A_51 : i32
      "tpu.region"() ({
        %run_scoped3A = tpu.sem_alloc : memref<!tpu.dma_semaphore, #tpu.memory_space<semaphore_mem>>
        %dma_start3A_75 = tpu.memref_slice %arg4[%add3A_52] : memref<320000xi32, #tpu.memory_space<hbm>> -> memref<80xi32, #tpu.memory_space<hbm>>
        %dma_start3A_76 = tpu.memref_slice %arg4[%add3A_52] : memref<320000xi32, #tpu.memory_space<hbm>> -> memref<80xi32, #tpu.memory_space<hbm>>
        tpu.enqueue_dma source(%dma_start3A_76 : memref<80xi32, #tpu.memory_space<hbm>>) target(%arg8 : memref<80xi32, #tpu.memory_space<vmem>>) target_semaphore(%run_scoped3A : memref<!tpu.dma_semaphore, #tpu.memory_space<semaphore_mem>>)
        %dma_wait3A_77 = tpu.memref_slice %arg4[%add3A_52] : memref<320000xi32, #tpu.memory_space<hbm>> -> memref<80xi32, #tpu.memory_space<hbm>>
        %dma_wait3A_78 = tpu.memref_slice %arg4[%add3A_52] : memref<320000xi32, #tpu.memory_space<hbm>> -> memref<80xi32, #tpu.memory_space<hbm>>
        tpu.wait_dma2 semaphore(%run_scoped3A : memref<!tpu.dma_semaphore, #tpu.memory_space<semaphore_mem>>) src(%dma_wait3A_78 : memref<80xi32, #tpu.memory_space<hbm>>) dst(%arg8 : memref<80xi32, #tpu.memory_space<vmem>>)
        tpu.yield
      }) : () -> ()
      %dma_wait3A = arith.constant 0 : i32
      %dma_wait3A_53 = arith.constant 0 : i32
      %dma_wait3A_54 = tpu.memref_slice %arg2[%dma_wait3A, %dma_wait3A_53] : memref<10000x128xf32, #tpu.memory_space<hbm>> -> memref<10000x128xf32, #tpu.memory_space<hbm>>
      tpu.wait_indirect_dma semaphore(%arg12 : memref<!tpu.dma_semaphore, #tpu.memory_space<semaphore_mem>>) src(%dma_wait3A_54 : memref<10000x128xf32, #tpu.memory_space<hbm>>) dst(%arg11 : memref<80x128xf32, #tpu.memory_space<vmem>>)
      %dma_start3A_55 = arith.constant 0 : i32
      %dma_start3A_56 = arith.constant 0 : i32
      %dma_start3A_57 = tpu.memref_slice %arg2[%dma_start3A_55, %dma_start3A_56] : memref<10000x128xf32, #tpu.memory_space<hbm>> -> memref<10000x128xf32, #tpu.memory_space<hbm>>
      tpu.enqueue_indirect_dma source(%dma_start3A_57 : memref<10000x128xf32, #tpu.memory_space<hbm>>) target(%arg10 : memref<80x128xf32, #tpu.memory_space<vmem>>) offsets(%arg6 : memref<80xi32, #tpu.memory_space<vmem>>) semaphore(%arg12 : memref<!tpu.dma_semaphore, #tpu.memory_space<semaphore_mem>>)
      "tpu.region"() ({
        %run_scoped3A = tpu.sem_alloc : memref<!tpu.dma_semaphore, #tpu.memory_space<semaphore_mem>>
        %dma_start3A_75 = arith.constant 0 : i32
        %dma_start3A_76 = arith.constant 0 : i32
        %dma_start3A_77 = tpu.memref_slice %arg13[%dma_start3A_75, %dma_start3A_76] : memref<10240x128xf32, #tpu.memory_space<vmem_shared>> -> memref<10240x128xf32, #tpu.memory_space<vmem_shared>>
        tpu.enqueue_indirect_dma source(%arg11 : memref<80x128xf32, #tpu.memory_space<vmem>>) target(%dma_start3A_77 : memref<10240x128xf32, #tpu.memory_space<vmem_shared>>) offsets(%arg9 : memref<80xi32, #tpu.memory_space<vmem>>) semaphore(%run_scoped3A : memref<!tpu.dma_semaphore, #tpu.memory_space<semaphore_mem>>) {add = true}
        %dma_wait3A_78 = arith.constant 0 : i32
        %dma_wait3A_79 = arith.constant 0 : i32
        %dma_wait3A_80 = tpu.memref_slice %arg13[%dma_wait3A_78, %dma_wait3A_79] : memref<10240x128xf32, #tpu.memory_space<vmem_shared>> -> memref<10240x128xf32, #tpu.memory_space<vmem_shared>>
        tpu.wait_indirect_dma semaphore(%run_scoped3A : memref<!tpu.dma_semaphore, #tpu.memory_space<semaphore_mem>>) src(%arg11 : memref<80x128xf32, #tpu.memory_space<vmem>>) dst(%dma_wait3A_80 : memref<10240x128xf32, #tpu.memory_space<vmem_shared>>)
        tpu.yield
      }) : () -> ()
      %add3A_58 = arith.constant 3 : i32
      %add3A_59 = arith.addi %mul3A_37, %add3A_58 : i32
      %min3A_60 = arith.constant 124 : i32
      %min3A_61 = arith.minsi %add3A_59, %min3A_60 : i32
      %mul3A_62 = arith.constant 80 : i32
      %mul3A_63 = arith.muli %min3A_61, %mul3A_62 : i32
      %add3A_64 = arith.addi %mul3A_2, %mul3A_63 : i32
      "tpu.region"() ({
        %run_scoped3A = tpu.sem_alloc : memref<!tpu.dma_semaphore, #tpu.memory_space<semaphore_mem>>
        %dma_start3A_75 = tpu.memref_slice %arg3[%add3A_64] : memref<320000xi32, #tpu.memory_space<hbm>> -> memref<80xi32, #tpu.memory_space<hbm>>
        %dma_start3A_76 = tpu.memref_slice %arg3[%add3A_64] : memref<320000xi32, #tpu.memory_space<hbm>> -> memref<80xi32, #tpu.memory_space<hbm>>
        tpu.enqueue_dma source(%dma_start3A_76 : memref<80xi32, #tpu.memory_space<hbm>>) target(%arg7 : memref<80xi32, #tpu.memory_space<vmem>>) target_semaphore(%run_scoped3A : memref<!tpu.dma_semaphore, #tpu.memory_space<semaphore_mem>>)
        %dma_wait3A_77 = tpu.memref_slice %arg3[%add3A_64] : memref<320000xi32, #tpu.memory_space<hbm>> -> memref<80xi32, #tpu.memory_space<hbm>>
        %dma_wait3A_78 = tpu.memref_slice %arg3[%add3A_64] : memref<320000xi32, #tpu.memory_space<hbm>> -> memref<80xi32, #tpu.memory_space<hbm>>
        tpu.wait_dma2 semaphore(%run_scoped3A : memref<!tpu.dma_semaphore, #tpu.memory_space<semaphore_mem>>) src(%dma_wait3A_78 : memref<80xi32, #tpu.memory_space<hbm>>) dst(%arg7 : memref<80xi32, #tpu.memory_space<vmem>>)
        tpu.yield
      }) : () -> ()
      %add3A_65 = arith.constant 3 : i32
      %add3A_66 = arith.addi %mul3A_37, %add3A_65 : i32
      %min3A_67 = arith.constant 124 : i32
      %min3A_68 = arith.minsi %add3A_66, %min3A_67 : i32
      %mul3A_69 = arith.constant 80 : i32
      %mul3A_70 = arith.muli %min3A_68, %mul3A_69 : i32
      %add3A_71 = arith.addi %mul3A_2, %mul3A_70 : i32
      "tpu.region"() ({
        %run_scoped3A = tpu.sem_alloc : memref<!tpu.dma_semaphore, #tpu.memory_space<semaphore_mem>>
        %dma_start3A_75 = tpu.memref_slice %arg4[%add3A_71] : memref<320000xi32, #tpu.memory_space<hbm>> -> memref<80xi32, #tpu.memory_space<hbm>>
        %dma_start3A_76 = tpu.memref_slice %arg4[%add3A_71] : memref<320000xi32, #tpu.memory_space<hbm>> -> memref<80xi32, #tpu.memory_space<hbm>>
        tpu.enqueue_dma source(%dma_start3A_76 : memref<80xi32, #tpu.memory_space<hbm>>) target(%arg9 : memref<80xi32, #tpu.memory_space<vmem>>) target_semaphore(%run_scoped3A : memref<!tpu.dma_semaphore, #tpu.memory_space<semaphore_mem>>)
        %dma_wait3A_77 = tpu.memref_slice %arg4[%add3A_71] : memref<320000xi32, #tpu.memory_space<hbm>> -> memref<80xi32, #tpu.memory_space<hbm>>
        %dma_wait3A_78 = tpu.memref_slice %arg4[%add3A_71] : memref<320000xi32, #tpu.memory_space<hbm>> -> memref<80xi32, #tpu.memory_space<hbm>>
        tpu.wait_dma2 semaphore(%run_scoped3A : memref<!tpu.dma_semaphore, #tpu.memory_space<semaphore_mem>>) src(%dma_wait3A_78 : memref<80xi32, #tpu.memory_space<hbm>>) dst(%arg9 : memref<80xi32, #tpu.memory_space<vmem>>)
        tpu.yield
      }) : () -> ()
      %dma_wait3A_72 = arith.constant 0 : i32
      %dma_wait3A_73 = arith.constant 0 : i32
      %dma_wait3A_74 = tpu.memref_slice %arg2[%dma_wait3A_72, %dma_wait3A_73] : memref<10000x128xf32, #tpu.memory_space<hbm>> -> memref<10000x128xf32, #tpu.memory_space<hbm>>
      tpu.wait_indirect_dma semaphore(%arg12 : memref<!tpu.dma_semaphore, #tpu.memory_space<semaphore_mem>>) src(%dma_wait3A_74 : memref<10000x128xf32, #tpu.memory_space<hbm>>) dst(%arg10 : memref<80x128xf32, #tpu.memory_space<vmem>>)
    }
    %scan3A_25 = arith.constant 62 : i32
    "tpu.region"() ({
      %run_scoped3A = tpu.sem_alloc : memref<!tpu.dma_semaphore, #tpu.memory_space<semaphore_mem>>
      %dma_start3A = arith.constant 0 : i32
      %dma_start3A_31 = arith.constant 0 : i32
      %dma_start3A_32 = tpu.memref_slice %arg13[%dma_start3A, %dma_start3A_31] : memref<10240x128xf32, #tpu.memory_space<vmem_shared>> -> memref<10240x128xf32, #tpu.memory_space<vmem_shared>>
      tpu.enqueue_indirect_dma source(%arg10 : memref<80x128xf32, #tpu.memory_space<vmem>>) target(%dma_start3A_32 : memref<10240x128xf32, #tpu.memory_space<vmem_shared>>) offsets(%arg8 : memref<80xi32, #tpu.memory_space<vmem>>) semaphore(%run_scoped3A : memref<!tpu.dma_semaphore, #tpu.memory_space<semaphore_mem>>) {add = true}
      %dma_wait3A = arith.constant 0 : i32
      %dma_wait3A_33 = arith.constant 0 : i32
      %dma_wait3A_34 = tpu.memref_slice %arg13[%dma_wait3A, %dma_wait3A_33] : memref<10240x128xf32, #tpu.memory_space<vmem_shared>> -> memref<10240x128xf32, #tpu.memory_space<vmem_shared>>
      tpu.wait_indirect_dma semaphore(%run_scoped3A : memref<!tpu.dma_semaphore, #tpu.memory_space<semaphore_mem>>) src(%arg10 : memref<80x128xf32, #tpu.memory_space<vmem>>) dst(%dma_wait3A_34 : memref<10240x128xf32, #tpu.memory_space<vmem_shared>>)
      tpu.yield
    }) : () -> ()
    %barrier3A_26 = arith.constant 0 : index
    tpu.barrier barrier_id(%barrier3A_26)
    %mul3A_27 = arith.constant 640 : i32
    %mul3A_28 = arith.muli %arg1, %mul3A_27 : i32
    %mul3A_29 = arith.constant 640 : i32
    %mul3A_30 = arith.muli %arg1, %mul3A_29 : i32
    "tpu.region"() ({
      %run_scoped3A = tpu.sem_alloc : memref<!tpu.dma_semaphore, #tpu.memory_space<semaphore_mem>>
      %dma_start3A = arith.constant 0 : i32
      %dma_start3A_31 = tpu.memref_slice %arg5[%arg0, %mul3A_30, %dma_start3A] : memref<2x10240x128xf32, #tpu.memory_space<hbm>> -> memref<1x640x128xf32, #tpu.memory_space<hbm>>
      %dma_start3A_32 = tpu.memref_squeeze %dma_start3A_31 : memref<1x640x128xf32, #tpu.memory_space<hbm>> -> memref<640x128xf32, #tpu.memory_space<hbm>>
      %dma_start3A_33 = arith.constant 0 : i32
      %dma_start3A_34 = tpu.memref_slice %arg13[%mul3A_28, %dma_start3A_33] : memref<10240x128xf32, #tpu.memory_space<vmem_shared>> -> memref<640x128xf32, #tpu.memory_space<vmem_shared>>
      tpu.enqueue_dma source(%dma_start3A_34 : memref<640x128xf32, #tpu.memory_space<vmem_shared>>) target(%dma_start3A_32 : memref<640x128xf32, #tpu.memory_space<hbm>>) target_semaphore(%run_scoped3A : memref<!tpu.dma_semaphore, #tpu.memory_space<semaphore_mem>>)
      %dma_wait3A = arith.constant 0 : i32
      %dma_wait3A_35 = tpu.memref_slice %arg5[%arg0, %mul3A_30, %dma_wait3A] : memref<2x10240x128xf32, #tpu.memory_space<hbm>> -> memref<1x640x128xf32, #tpu.memory_space<hbm>>
      %dma_wait3A_36 = tpu.memref_squeeze %dma_wait3A_35 : memref<1x640x128xf32, #tpu.memory_space<hbm>> -> memref<640x128xf32, #tpu.memory_space<hbm>>
      %dma_wait3A_37 = arith.constant 0 : i32
      %dma_wait3A_38 = tpu.memref_slice %arg13[%mul3A_28, %dma_wait3A_37] : memref<10240x128xf32, #tpu.memory_space<vmem_shared>> -> memref<640x128xf32, #tpu.memory_space<vmem_shared>>
      tpu.wait_dma2 semaphore(%run_scoped3A : memref<!tpu.dma_semaphore, #tpu.memory_space<semaphore_mem>>) src(%dma_wait3A_38 : memref<640x128xf32, #tpu.memory_space<vmem_shared>>) dst(%dma_wait3A_36 : memref<640x128xf32, #tpu.memory_space<hbm>>)
      tpu.yield
    }) : () -> ()
    return
  }
}

module attributes {stable_mosaic.version = 14 : i64} {
  func.func @_finish_body(%arg0: i32, %arg1: memref<2x400x128xf32, #tpu.memory_space<vmem>>, %arg2: memref<400x32xf32, #tpu.memory_space<vmem>>, %arg3: memref<400x128xf32, #tpu.memory_space<vmem>>, %arg4: memref<128x128xf32, #tpu.memory_space<vmem>>, %arg5: memref<1x128xf32, #tpu.memory_space<vmem>>, %arg6: memref<128x128xf32, #tpu.memory_space<vmem>>, %arg7: memref<400x128xf32, #tpu.memory_space<vmem>>) attributes {dimension_semantics = [#tpu.dimension_semantics<arbitrary>], iteration_bounds = array<i64: 25>, scalar_prefetch = 0 : i64, scratch_operands = 0 : i64, tpu.core_type = #tpu.core_type<tc>, window_params = [{transform_indices = @transform_0, window_bounds = array<i64: 2, 400, 128>}, {transform_indices = @transform_1, window_bounds = array<i64: 400, 32>}, {transform_indices = @transform_2, window_bounds = array<i64: 400, 128>}, {pipeline_mode = #tpu.pipeline_mode<synchronous>, transform_indices = @transform_3, window_bounds = array<i64: 128, 128>}, {pipeline_mode = #tpu.pipeline_mode<synchronous>, transform_indices = @transform_4, window_bounds = array<i64: 1, 128>}, {pipeline_mode = #tpu.pipeline_mode<synchronous>, transform_indices = @transform_5, window_bounds = array<i64: 128, 128>}, {transform_indices = @transform_6, window_bounds = array<i64: 400, 128>}]} {
    %get3A = arith.constant 0 : index
    %get3A_0 = arith.constant 0 : index
    %get3A_1 = arith.constant 0 : index
    %get3A_2 = vector.load %arg1[%get3A, %get3A_0, %get3A_1] : memref<2x400x128xf32, #tpu.memory_space<vmem>>, vector<1x400x128xf32>
    %get3A_3 = vector.shape_cast %get3A_2 : vector<1x400x128xf32> to vector<400x128xf32>
    %get3A_4 = arith.constant 1 : index
    %get3A_5 = arith.constant 0 : index
    %get3A_6 = arith.constant 0 : index
    %get3A_7 = vector.load %arg1[%get3A_4, %get3A_5, %get3A_6] : memref<2x400x128xf32, #tpu.memory_space<vmem>>, vector<1x400x128xf32>
    %get3A_8 = vector.shape_cast %get3A_7 : vector<1x400x128xf32> to vector<400x128xf32>
    %add3A = arith.addf %get3A_3, %get3A_8 : vector<400x128xf32>
    %get3A_9 = arith.constant 0 : index
    %get3A_10 = arith.constant 0 : index
    %get3A_11 = vector.load %arg2[%get3A_9, %get3A_10] : memref<400x32xf32, #tpu.memory_space<vmem>>, vector<400x32xf32>
    %reduce_sum3A = arith.constant dense<0.000000e+00> : vector<400xf32>
    %reduce_sum3A_12 = vector.multi_reduction <add>, %get3A_11, %reduce_sum3A [1] : vector<400x32xf32> to vector<400xf32>
    %broadcast_in_dim3A = vector.shape_cast %reduce_sum3A_12 : vector<400xf32> to vector<400x1xf32>
    %max3A = arith.constant 1.000000e+00 : f32
    %max3A_13 = vector.broadcast %max3A : f32 to vector<400x1xf32>
    %max3A_14 = arith.maximumf %broadcast_in_dim3A, %max3A_13 : vector<400x1xf32>
    %div3A = arith.constant 1.000000e+00 : f32
    %div3A_15 = vector.broadcast %div3A : f32 to vector<400x1xf32>
    %div3A_16 = arith.divf %div3A_15, %max3A_14 : vector<400x1xf32>
    %mul3A = vector.broadcast %div3A_16 : vector<400x1xf32> to vector<400x128xf32>
    %mul3A_17 = arith.mulf %add3A, %mul3A : vector<400x128xf32>
    %get3A_18 = arith.constant 0 : index
    %get3A_19 = arith.constant 0 : index
    %get3A_20 = vector.load %arg4[%get3A_18, %get3A_19] : memref<128x128xf32, #tpu.memory_space<vmem>>, vector<128x128xf32>
    %dot_general3A = arith.constant dense<0.000000e+00> : vector<400x128xf32>
    %dot_general3A_21 = tpu.matmul %mul3A_17, %get3A_20, %dot_general3A {dimension_numbers = #tpu.dot_dimension_numbers<[1], [1], [0], [0], [0, 0, 1, 0], [], []>, transpose_lhs_hint = false} : vector<400x128xf32>, vector<128x128xf32>, vector<400x128xf32> -> vector<400x128xf32>
    %get3A_22 = arith.constant 0 : index
    %get3A_23 = arith.constant 0 : index
    %get3A_24 = vector.load %arg5[%get3A_22, %get3A_23] : memref<1x128xf32, #tpu.memory_space<vmem>>, vector<1x128xf32>
    %add3A_25 = vector.broadcast %get3A_24 : vector<1x128xf32> to vector<400x128xf32>
    %add3A_26 = arith.addf %dot_general3A_21, %add3A_25 : vector<400x128xf32>
    %get3A_27 = arith.constant 0 : index
    %get3A_28 = arith.constant 0 : index
    %get3A_29 = vector.load %arg3[%get3A_27, %get3A_28] : memref<400x128xf32, #tpu.memory_space<vmem>>, vector<400x128xf32>
    %get3A_30 = arith.constant 0 : index
    %get3A_31 = arith.constant 0 : index
    %get3A_32 = vector.load %arg6[%get3A_30, %get3A_31] : memref<128x128xf32, #tpu.memory_space<vmem>>, vector<128x128xf32>
    %dot_general3A_33 = arith.constant dense<0.000000e+00> : vector<400x128xf32>
    %dot_general3A_34 = tpu.matmul %get3A_29, %get3A_32, %dot_general3A_33 {dimension_numbers = #tpu.dot_dimension_numbers<[1], [1], [0], [0], [0, 0, 1, 0], [], []>, transpose_lhs_hint = false} : vector<400x128xf32>, vector<128x128xf32>, vector<400x128xf32> -> vector<400x128xf32>
    %add3A_35 = arith.addf %add3A_26, %dot_general3A_34 : vector<400x128xf32>
    %swap3A = arith.constant 0 : index
    %swap3A_36 = arith.constant 0 : index
    %swap3A_37 = vector.load %arg7[%swap3A, %swap3A_36] : memref<400x128xf32, #tpu.memory_space<vmem>>, vector<400x128xf32>
    tpu.vector_store %arg7[%swap3A, %swap3A_36], %add3A_35 {strides = array<i32>} : memref<400x128xf32, #tpu.memory_space<vmem>>, vector<400x128xf32>,
    return
  }
  func.func @transform_0(%arg0: i32) -> (i32, i32, i32) {
    %c0_i32 = arith.constant 0 : i32
    %c0_i32_0 = arith.constant 0 : i32
    %c0_i32_1 = arith.constant 0 : i32
    return %c0_i32, %arg0, %c0_i32_0 : i32, i32, i32
  }
  func.func @transform_1(%arg0: i32) -> (i32, i32) {
    %c0_i32 = arith.constant 0 : i32
    %c0_i32_0 = arith.constant 0 : i32
    return %arg0, %c0_i32 : i32, i32
  }
  func.func @transform_2(%arg0: i32) -> (i32, i32) {
    %c0_i32 = arith.constant 0 : i32
    %c0_i32_0 = arith.constant 0 : i32
    return %arg0, %c0_i32 : i32, i32
  }
  func.func @transform_3(%arg0: i32) -> (i32, i32) {
    %c0_i32 = arith.constant 0 : i32
    %c0_i32_0 = arith.constant 0 : i32
    %c0_i32_1 = arith.constant 0 : i32
    return %c0_i32, %c0_i32_0 : i32, i32
  }
  func.func @transform_4(%arg0: i32) -> (i32, i32) {
    %c0_i32 = arith.constant 0 : i32
    %c0_i32_0 = arith.constant 0 : i32
    %c0_i32_1 = arith.constant 0 : i32
    return %c0_i32, %c0_i32_0 : i32, i32
  }
  func.func @transform_5(%arg0: i32) -> (i32, i32) {
    %c0_i32 = arith.constant 0 : i32
    %c0_i32_0 = arith.constant 0 : i32
    %c0_i32_1 = arith.constant 0 : i32
    return %c0_i32, %c0_i32_0 : i32, i32
  }
  func.func @transform_6(%arg0: i32) -> (i32, i32) {
    %c0_i32 = arith.constant 0 : i32
    %c0_i32_0 = arith.constant 0 : i32
    return %arg0, %c0_i32 : i32, i32
  }
}

module attributes {stable_mosaic.version = 14 : i64} {
  func.func @_finish_body(%arg0: i32, %arg1: memref<2x400x128xf32, #tpu.memory_space<vmem>>, %arg2: memref<400x32xf32, #tpu.memory_space<vmem>>, %arg3: memref<400x128xf32, #tpu.memory_space<vmem>>, %arg4: memref<128x128xf32, #tpu.memory_space<vmem>>, %arg5: memref<1x128xf32, #tpu.memory_space<vmem>>, %arg6: memref<128x128xf32, #tpu.memory_space<vmem>>, %arg7: memref<400x128xf32, #tpu.memory_space<vmem>>) attributes {dimension_semantics = [#tpu.dimension_semantics<arbitrary>], iteration_bounds = array<i64: 25>, scalar_prefetch = 0 : i64, scratch_operands = 0 : i64, tpu.core_type = #tpu.core_type<tc>, window_params = [{transform_indices = @transform_0, window_bounds = array<i64: 2, 400, 128>}, {transform_indices = @transform_1, window_bounds = array<i64: 400, 32>}, {transform_indices = @transform_2, window_bounds = array<i64: 400, 128>}, {pipeline_mode = #tpu.pipeline_mode<synchronous>, transform_indices = @transform_3, window_bounds = array<i64: 128, 128>}, {pipeline_mode = #tpu.pipeline_mode<synchronous>, transform_indices = @transform_4, window_bounds = array<i64: 1, 128>}, {pipeline_mode = #tpu.pipeline_mode<synchronous>, transform_indices = @transform_5, window_bounds = array<i64: 128, 128>}, {transform_indices = @transform_6, window_bounds = array<i64: 400, 128>}]} {
    %get3A = arith.constant 0 : index
    %get3A_0 = arith.constant 0 : index
    %get3A_1 = arith.constant 0 : index
    %get3A_2 = vector.load %arg1[%get3A, %get3A_0, %get3A_1] : memref<2x400x128xf32, #tpu.memory_space<vmem>>, vector<1x400x128xf32>
    %get3A_3 = vector.shape_cast %get3A_2 : vector<1x400x128xf32> to vector<400x128xf32>
    %get3A_4 = arith.constant 1 : index
    %get3A_5 = arith.constant 0 : index
    %get3A_6 = arith.constant 0 : index
    %get3A_7 = vector.load %arg1[%get3A_4, %get3A_5, %get3A_6] : memref<2x400x128xf32, #tpu.memory_space<vmem>>, vector<1x400x128xf32>
    %get3A_8 = vector.shape_cast %get3A_7 : vector<1x400x128xf32> to vector<400x128xf32>
    %add3A = arith.addf %get3A_3, %get3A_8 : vector<400x128xf32>
    %get3A_9 = arith.constant 0 : index
    %get3A_10 = arith.constant 0 : index
    %get3A_11 = vector.load %arg2[%get3A_9, %get3A_10] : memref<400x32xf32, #tpu.memory_space<vmem>>, vector<400x32xf32>
    %reduce_sum3A = arith.constant dense<0.000000e+00> : vector<400xf32>
    %reduce_sum3A_12 = vector.multi_reduction <add>, %get3A_11, %reduce_sum3A [1] : vector<400x32xf32> to vector<400xf32>
    %broadcast_in_dim3A = vector.shape_cast %reduce_sum3A_12 : vector<400xf32> to vector<400x1xf32>
    %max3A = arith.constant 1.000000e+00 : f32
    %max3A_13 = vector.broadcast %max3A : f32 to vector<400x1xf32>
    %max3A_14 = arith.maximumf %broadcast_in_dim3A, %max3A_13 : vector<400x1xf32>
    %div3A = arith.constant 1.000000e+00 : f32
    %div3A_15 = vector.broadcast %div3A : f32 to vector<400x1xf32>
    %div3A_16 = arith.divf %div3A_15, %max3A_14 : vector<400x1xf32>
    %mul3A = vector.broadcast %div3A_16 : vector<400x1xf32> to vector<400x128xf32>
    %mul3A_17 = arith.mulf %add3A, %mul3A : vector<400x128xf32>
    %get3A_18 = arith.constant 0 : index
    %get3A_19 = arith.constant 0 : index
    %get3A_20 = vector.load %arg4[%get3A_18, %get3A_19] : memref<128x128xf32, #tpu.memory_space<vmem>>, vector<128x128xf32>
    %dot_general3A = arith.constant dense<0.000000e+00> : vector<400x128xf32>
    %dot_general3A_21 = tpu.matmul %mul3A_17, %get3A_20, %dot_general3A {dimension_numbers = #tpu.dot_dimension_numbers<[1], [1], [0], [0], [0, 0, 1, 0], [], []>, transpose_lhs_hint = false} : vector<400x128xf32>, vector<128x128xf32>, vector<400x128xf32> -> vector<400x128xf32>
    %get3A_22 = arith.constant 0 : index
    %get3A_23 = arith.constant 0 : index
    %get3A_24 = vector.load %arg5[%get3A_22, %get3A_23] : memref<1x128xf32, #tpu.memory_space<vmem>>, vector<1x128xf32>
    %add3A_25 = vector.broadcast %get3A_24 : vector<1x128xf32> to vector<400x128xf32>
    %add3A_26 = arith.addf %dot_general3A_21, %add3A_25 : vector<400x128xf32>
    %get3A_27 = arith.constant 0 : index
    %get3A_28 = arith.constant 0 : index
    %get3A_29 = vector.load %arg3[%get3A_27, %get3A_28] : memref<400x128xf32, #tpu.memory_space<vmem>>, vector<400x128xf32>
    %get3A_30 = arith.constant 0 : index
    %get3A_31 = arith.constant 0 : index
    %get3A_32 = vector.load %arg6[%get3A_30, %get3A_31] : memref<128x128xf32, #tpu.memory_space<vmem>>, vector<128x128xf32>
    %dot_general3A_33 = arith.constant dense<0.000000e+00> : vector<400x128xf32>
    %dot_general3A_34 = tpu.matmul %get3A_29, %get3A_32, %dot_general3A_33 {dimension_numbers = #tpu.dot_dimension_numbers<[1], [1], [0], [0], [0, 0, 1, 0], [], []>, transpose_lhs_hint = false} : vector<400x128xf32>, vector<128x128xf32>, vector<400x128xf32> -> vector<400x128xf32>
    %add3A_35 = arith.addf %add3A_26, %dot_general3A_34 : vector<400x128xf32>
    %max3A_36 = arith.constant 0.000000e+00 : f32
    %max3A_37 = vector.broadcast %max3A_36 : f32 to vector<400x128xf32>
    %max3A_38 = arith.maximumf %add3A_35, %max3A_37 : vector<400x128xf32>
    %swap3A = arith.constant 0 : index
    %swap3A_39 = arith.constant 0 : index
    %swap3A_40 = vector.load %arg7[%swap3A, %swap3A_39] : memref<400x128xf32, #tpu.memory_space<vmem>>, vector<400x128xf32>
    tpu.vector_store %arg7[%swap3A, %swap3A_39], %max3A_38 {strides = array<i32>} : memref<400x128xf32, #tpu.memory_space<vmem>>, vector<400x128xf32>,
    return
  }
  func.func @transform_0(%arg0: i32) -> (i32, i32, i32) {
    %c0_i32 = arith.constant 0 : i32
    %c0_i32_0 = arith.constant 0 : i32
    %c0_i32_1 = arith.constant 0 : i32
    return %c0_i32, %arg0, %c0_i32_0 : i32, i32, i32
  }
  func.func @transform_1(%arg0: i32) -> (i32, i32) {
    %c0_i32 = arith.constant 0 : i32
    %c0_i32_0 = arith.constant 0 : i32
    return %arg0, %c0_i32 : i32, i32
  }
  func.func @transform_2(%arg0: i32) -> (i32, i32) {
    %c0_i32 = arith.constant 0 : i32
    %c0_i32_0 = arith.constant 0 : i32
    return %arg0, %c0_i32 : i32, i32
  }
  func.func @transform_3(%arg0: i32) -> (i32, i32) {
    %c0_i32 = arith.constant 0 : i32
    %c0_i32_0 = arith.constant 0 : i32
    %c0_i32_1 = arith.constant 0 : i32
    return %c0_i32, %c0_i32_0 : i32, i32
  }
  func.func @transform_4(%arg0: i32) -> (i32, i32) {
    %c0_i32 = arith.constant 0 : i32
    %c0_i32_0 = arith.constant 0 : i32
    %c0_i32_1 = arith.constant 0 : i32
    return %c0_i32, %c0_i32_0 : i32, i32
  }
  func.func @transform_5(%arg0: i32) -> (i32, i32) {
    %c0_i32 = arith.constant 0 : i32
    %c0_i32_0 = arith.constant 0 : i32
    %c0_i32_1 = arith.constant 0 : i32
    return %c0_i32, %c0_i32_0 : i32, i32
  }
  func.func @transform_6(%arg0: i32) -> (i32, i32) {
    %c0_i32 = arith.constant 0 : i32
    %c0_i32_0 = arith.constant 0 : i32
    return %arg0, %c0_i32 : i32, i32
  }
}

</mosaic_0001>

<sc_bundles>
// kernel: kernel.10.cloned.1.call-start
scs
__scs_entry_jumppad:
0x0: {  	(pc) =	sbr.rel $0x88, $3  }
0x1: {  	(tag) =	ssettag $0x0;
	lr =	simm.s32 $0x1  }
0x2: {  	[smem:$0x3F99] =	sst lr;
	_ =	strace $0xD0000000  }
0x3: {  	_ = 	snop  }
0x4: {  	_ = 	snop  }
0x5: {  	_ = 	snop  }
0x6: {  	_ = 	snop  }
0x7: {  	_ = 	snop  }
__scs_overlays_trampoline_lowered:
0x8: {  	[smem:$0x3FA8] =	sst s0  }
0x9: {  	[smem:$0x3FA9] =	sst s1  }
0xa: {  	[smem:$0x3FAA] =	sst s2  }
0xb: {  	[smem:$0x3FAB] =	sst s3  }
0xc: {  	[smem:$0x3FAC] =	sst s4  }
0xd: {  	[smem:$0x3FAD] =	sst s5  }
0xe: {  	[smem:$0x3FAE] =	sst s6  }
0xf: {  	[smem:$0x3FAF] =	sst s7  }
0x10: {  	[smem:$0x3FB0] =	sst s8  }
0x11: {  	[smem:$0x3FB1] =	sst s9;
	s0 =	simm.s32 @!p0 $0x0  }
0x12: {  	s1 =	sld [smem:$0x3F97];
	s0 =	simm.s32 @p0 $0x1  }
0x13: {  	[smem:$0x3FB2] =	sst s0;
	s0 =	simm.s32 @!p1 $0x0  }
0x14: {  	s2 =	sld [smem:$0x3F96];
	s0 =	simm.s32 @p1 $0x1  }
0x15: {  	[smem:$0x3FB3] =	sst s0;
	s0 =	simm.s32 @!p2 $0x0  }
0x16: {  	s3 =	sld [smem:$0x3FDB];
	s0 =	simm.s32 @p2 $0x1  }
0x17: {  	s4 =	simm.s32 $0x1BF5;
	[smem:$0x3FB5] =	sst s0  }
0x18: {  	s0 =	sld [smem:$0x3F98];
	_ =	swait.ge [sflag:s4], $0x0  }
0x19: {  	s7 =	sld [smem:$0x3F99]  }
0x1a: {  	s8 =	sadd.s32 $0xFFFFE003, lr  }
0x1b: {  	s9 =	sadd.s32 $0xFFFFFEF7, lr;
	s5 =	simm.s32 $0xFFFFFFFF;
	p2 =	slt.u32 s8, $0xFFFFF086  }
0x1c: {  	p1 =	slt.u32 s9, $0xF7A;
	s5 =	simm.s32 @!p2 $0x0  }
0x1d: {  	s5 =	simm.s32 @p1 $0x1;
	p0 =	seq.s32 s7, s2  }
0x1e: {  	s7 =	smul.u32 @!p0 $0xF7A, s2;
	p2 =	seq.s32 @!p0 s5, $0x0  }
0x1f: {  	s9 =	smul.u32 $0xF7A, s1;
	s8 =	simm.s32 @!p0 $0x1BF5;
	p2 =	por !p2, p0  }
0x20: {  	[sflag:s8] =	ssyncset.s32 @!p0 $0xFFFFF086;
	s6 =	sadd.s32 @!p0 s3, s7;
	s7 =	simm.s32 @!p0 $0x108  }
0x21: {  	s3 =	sadd.s32 s3, s9;
	s6 =	sadd.s32 @!p0 $0x88, s6;
	s7 =	simm.s32 @p2 $0x1082  }
0x22: {  	[simem:s7], [sflag:s8] =	dma.local @!p0 [hbm:s6], $0xF7A  }
0x23: {  	s9 =	sor.u32 $0xD0000000, s2;
	s6 =	simm.s32 $0x108;
	_ =	swait.ge @!p0 [sflag:s8], $0x0  }
0x24: {  	s3 =	sadd.s32 $0x88, s3;
	s6 =	simm.s32 @!p1 $0x1082;
	[sflag:s4] =	ssyncset.s32 $0xFFFFF086  }
0x25: {  	[simem:s6], [sflag:s4] =	dma.local [hbm:s3], $0xF7A  }
0x26: {  	[smem:$0x3F99] =	sst s1;
	(tag) =	ssettag s2;
	_ =	strace s9  }
0x27: {  	s1 =	sld [smem:$0x3FA9]  }
0x28: {  	s2 =	sld [smem:$0x3FAA]  }
0x29: {  	s4 =	sld [smem:$0x3FAC]  }
0x2a: {  	p0 =	seq.s32 s5, $0x0;
	s5 =	sld [smem:$0x3FAD]  }
0x2b: {  	s6 =	sld [smem:$0x3FAE]  }
0x2c: {  	s7 =	sld [smem:$0x3FAF]  }
0x2d: {  	s3 =	simm.s32 $0x108;
	s8 =	sld [smem:$0x3FB0]  }
0x2e: {  	s3 =	simm.s32 @!p0 $0x1082;
	s9 =	sld [smem:$0x3FB1]  }
0x2f: {  	lr =	sadd.s32 s0, s3;
	s0 =	sld [smem:$0x3FA8]  }
0x30: {  	s3 =	sld [smem:$0x3FAB]  }
0x31: {  	[smem:$0x3FB4] =	sst s10  }
0x32: {  	s10 =	sld [smem:$0x3FB2];
	_ =	sdelay $0x3  }
0x33: {  	p0 =	seq.s32 s10, $0x1;
	s10 =	sld [smem:$0x3FB4];
	_ =	sdelay $0x3  }
0x34: {  	[smem:$0x3FB4] =	sst s10  }
0x35: {  	s10 =	sld [smem:$0x3FB3];
	_ =	sdelay $0x3  }
0x36: {  	p1 =	seq.s32 s10, $0x1;
	s10 =	sld [smem:$0x3FB4];
	_ =	sdelay $0x3  }
0x37: {  	[smem:$0x3FB4] =	sst s10  }
0x38: {  	s10 =	sld [smem:$0x3FB5]  }
0x39: {  	_ = 	snop;
	(pc) =	sbr.ind lr, $3  }
0x3a: {  	_ = 	snop  }
0x3b: {  	_ = 	snop  }
0x3c: {  	p2 =	seq.s32 s10, $0x1;
	s10 =	sld [smem:$0x3FB4]  }
0x3d: {  	_ =	shalt  }
0x3e: {  	_ =	shalt  }
0x3f: {  	_ =	shalt  }
0x40: {  	_ =	shalt  }
0x41: {  	_ =	shalt  }
0x42: {  	_ =	shalt  }
0x43: {  	_ =	shalt  }
0x44: {  	_ =	shalt  }
0x45: {  	_ =	shalt  }
0x46: {  	_ =	shalt  }
0x47: {  	_ =	shalt  }
0x48: {  	_ =	shalt  }
0x49: {  	_ =	shalt  }
0x4a: {  	_ =	shalt  }
0x4b: {  	_ =	shalt  }
0x4c: {  	_ =	shalt  }
0x4d: {  	_ =	shalt  }
0x4e: {  	_ =	shalt  }
0x4f: {  	_ =	shalt  }
0x50: {  	_ =	shalt  }
0x51: {  	_ =	shalt  }
0x52: {  	_ =	shalt  }
0x53: {  	_ =	shalt  }
0x54: {  	_ =	shalt  }
0x55: {  	_ =	shalt  }
0x56: {  	_ =	shalt  }
0x57: {  	_ =	shalt  }
0x58: {  	_ =	shalt  }
0x59: {  	_ =	shalt  }
0x5a: {  	_ =	shalt  }
0x5b: {  	_ =	shalt  }
0x5c: {  	_ =	shalt  }
0x5d: {  	_ =	shalt  }
0x5e: {  	_ =	shalt  }
0x5f: {  	_ =	shalt  }
0x60: {  	_ =	shalt  }
0x61: {  	_ =	shalt  }
0x62: {  	_ =	shalt  }
0x63: {  	_ =	shalt  }
0x64: {  	_ =	shalt  }
0x65: {  	_ =	shalt  }
0x66: {  	_ =	shalt  }
0x67: {  	_ =	shalt  }
0x68: {  	_ =	shalt  }
0x69: {  	_ =	shalt  }
0x6a: {  	_ =	shalt  }
0x6b: {  	_ =	shalt  }
0x6c: {  	_ =	shalt  }
0x6d: {  	_ =	shalt  }
0x6e: {  	_ =	shalt  }
0x6f: {  	_ =	shalt  }
0x70: {  	_ =	shalt  }
0x71: {  	_ =	shalt  }
0x72: {  	_ =	shalt  }
0x73: {  	_ =	shalt  }
0x74: {  	_ =	shalt  }
0x75: {  	_ =	shalt  }
0x76: {  	_ =	shalt  }
0x77: {  	_ =	shalt  }
0x78: {  	_ =	shalt  }
0x79: {  	_ =	shalt  }
0x7a: {  	_ =	shalt  }
0x7b: {  	_ =	shalt  }
0x7c: {  	_ =	shalt  }
0x7d: {  	_ =	shalt  }
0x7e: {  	_ =	shalt  }
0x7f: {  	_ =	shalt  }
0x80: {  	_ =	shalt  }
0x81: {  	_ =	shalt  }
0x82: {  	_ =	shalt  }
0x83: {  	_ =	shalt  }
0x84: {  	_ =	shalt  }
0x85: {  	_ =	shalt  }
0x86: {  	_ =	shalt  }
0x87: {  	_ =	shalt  }
.Lfunc_end0:
.L_simem_size_0:
called_computation.1_lowered:
.L_overlay_start_0:
0x88: {  	s2 =	sld [smem:$0x3FD9]  }
0x89: {  	s3 =	sld [smem:$0x3FFE];
	_ =	sdelay $0x1  }
0x8a: {  	s1 =	srdreg.scid  }
0x8b: {  	s0 =	sand.u32 $0x1, s1  }
0x8c: {  	s17 =	sshll.u32 s0, $0xA;
	s2 =	sadd.s32 s3, s2  }
0x8d: {  	s2 =	sadd.s32 s2, s17  }
0x8e: {  	[smem:$0x3FC0] =	sst s2  }
0x8f: {  	_ = 	snop  }
0x90: {  	s18 =	sld [smem:$0x3FC9];
	(tm) =	ssettm $0x1  }
0x91: {  	s19 =	sld [smem:$0x3FFB];
	_ =	sdelay $0x3  }
0x92: {  	_ =	strace s19  }
0x93: {  	s2 =	sld [smem:$0x3FFC];
	_ =	sdelay $0x3  }
0x94: {  	_ =	strace s2  }
0x95: {  	s2 =	sld [smem:$0x3FFD];
	_ =	sdelay $0x3  }
0x96: {  	_ =	strace s2  }
0x97: {  	_ =	strace $0x8FFFFFFF  }
0x98: {  	s20 =	sld [smem:$0x3FDB];
	_ =	sdelay $0x1  }
0x99: {  	s4 =	simm.s32 $_scs_section_size  }
0x9a: {  	s5 =	simm.s32 $_size__tile_overlayer_lowered;
	s6 =	simm.s32 $_tile_overlayer_lowered  }
0x9b: {  	s7 =	simm.s32 $0x1BFF;
	s21 =	sshll.u32 s6, $0x1;
	s4 =	sadd.s32 s4, s20  }
0x9c: {  	s22 =	simm.s32 $0x0;
	s5 =	sshll.u32 s5, $0x1;
	s6 =	sadd.s32 s21, s4  }
0x9d: {  	[timem:s22], [sflag:s7] =	dma.local [hbm:s6], s5  }
0x9e: {  	_ =	swait.ge [sflag:s7], s5  }
0x9f: {  	s5 =	ssub.s32 $0x0, s5;
	[sflag:s7] =	ssyncset.done $0x0  }
0xa0: {  	[sflag:s7] =	ssyncadd.s32 s5;
	_ =	sdelay $0x1  }
0xa1: {  	s23 =	simm.s32 $0x1B8B  }
0xa2: {  	_ =	swait.ge [sflag:s23], $0x1  }
0xa3: {  	[sflag:s23] =	ssyncset.done $0x0  }
0xa4: {  	[sflag:s23] =	ssyncadd.s32 $0xFFFFFFFF  }
0xa5: {  	s5 =	sld [smem:$0x0]  }
0xa6: {  	s6 =	sand.u32 $0xFFFFFFFE, s1  }
0xa7: {  	p0 =	sne.s32 s1, s6  }
0xa8: {  	s6 =	sshll.u32 @p0 s6, $0xE  }
0xa9: {  	s6 =	sadd.s32 @p0 $0x11B8D, s6;
	s7 =	sshll.u32 @p0 s5, $0x11  }
0xaa: {  	s6 =	sor.u32 @p0 s7, s6  }
0xab: {  	[sflag:s6] =	ssyncadd.remote.s32 @p0 $0x1;
	_ =	sdelay $0x1  }
0xac: {  	s6 =	simm.s32 @p0 $0x1B8D  }
0xad: {  	_ =	swait.eq @p0 [sflag:s6], $0x1  }
0xae: {  	[sflag:s6] =	ssyncadd.s32 @p0 $0xFFFFFFFF  }
0xaf: {  	s7 =	sshll.u32 @!p0 s1, $0xE  }
0xb0: {  	s7 =	sor.u32 @!p0 $0x4000, s7;
	s6 =	simm.s32 @!p0 $0x1B8D  }
0xb1: {  	s5 =	sshll.u32 @!p0 s5, $0x11;
	s7 =	sadd.s32 @!p0 $0x11B8D, s7;
	_ =	swait.eq @!p0 [sflag:s6], $0x1  }
0xb2: {  	s5 =	sor.u32 @!p0 s5, s7;
	[sflag:s6] =	ssyncadd.s32 @!p0 $0xFFFFFFFF  }
0xb3: {  	s25 =	simm.s32 $0x1B8E;
	s24 =	sld [smem:$0x3FFE];
	[sflag:s5] =	ssyncadd.remote.s32 @!p0 $0x1  }
0xb4: {  	s26 =	simm.s32 $execute0_lowered;
	[smem:$0x3FD2] =	sst s25  }
0xb5: {  	s6 =	sshll.u32 s26, $0x1;
	_ =	strace $0x80000049;
	[dreg:$0x1] =	wrdreg $0xFFFFFFFF  }
0xb6: {  	s28 =	simm.s32 $_size_execute0_lowered;
	s4 =	sadd.s32 s4, s6;
	[dreg:$0x0] =	wrdreg $0x0  }
0xb7: {  	s6 =	sshll.u32 s28, $0x1;
	[dreg:$0x2] =	wrdreg s4  }
0xb8: {  	[dreg:$0x3] =	wrdreg s6  }
0xb9: {  	[dreg:$0x4] =	wrdreg $0xC0  }
0xba: {  	_ =	task [dreg:s22], $0x5FFFF  }
0xbb: {  	[dreg:$0x1] =	wrdreg $0xFFFFFFFF  }
0xbc: {  	[dreg:$0x0] =	wrdreg $0x60  }
0xbd: {  	[dreg:$0x2] =	wrdreg s18  }
0xbe: {  	[dreg:$0x3] =	wrdreg s24  }
0xbf: {  	[dreg:$0x4] =	wrdreg $0x52000  }
0xc0: {  	[dreg:$0x5] =	wrdreg $0xA  }
0xc1: {  	_ =	task.clear_ibuf [dreg:s22], $0x6FFFF;
	_ =	strace $0x90000049  }
0xc2: {  	s29 =	simm.s32 $0xA;
	_ =	strace $0x8000004B  }
0xc3: {  	_ =	swait.ge [sflag:s29], $0x1  }
0xc4: {  	[sflag:s29] =	ssyncadd.s32 $0xFFFFFFFF  }
0xc5: {  	_ =	strace $0x9000004B  }
0xc6: {  	_ =	sfence  }
0xc7: {  	s30 =	sld [smem:$0x0];
	_ =	sdelay $0x2  }
0xc8: {  	s31 =	sshll.u32 s1, $0xD;
	s1 =	sshrl.u32 s1, $0x2  }
0xc9: {  	s4 =	sand.u32 $0x4000, s31;
	s1 =	sadd.s32 s1, s30  }
0xca: {  	s0 =	sor.u32 s4, s0;
	s1 =	sshll.u32 s1, $0x11  }
0xcb: {  	s0 =	sor.u32 s1, s0  }
0xcc: {  	s0 =	sadd.s32 $0x8F2B, s0  }
0xcd: {  	[sflag:s0] =	ssyncadd.remote.s32 $0x1  }
0xce: {  	_ =	sfence.sel $0xFFFF  }
0xcf: {  	[dreg:$0x0] =	wrdreg $0xFFFFFFFF;
	(pc) =	sbr.abs _section_cstart, $3  }
0xd0: {  	[dreg:$0x1] =	wrdreg $0xFFFFFFFF  }
0xd1: {  	_ =	task.clear_ibuf [dreg:s22], $0x2FFFF;
	_ =	strace $0x9FFFFFFF  }
0xd2: {  	(tm) =	ssettm $0x7FFFFFFF  }
0xd3: {  	_ =	shalt  }
tec
execute0_lowered:
.L_overlay_start_1:
0x0: {  	(tag) =	ssettag $0x1  }
0x1: {  	s1 =	rddreg [dreg:$0x0]  }
0x2: {  	s0 =	rddreg [dreg:$0x1]  }
0x3: {  	s2 =	rddreg [dreg:$0x2];
	s3 =	srdreg.scid  }
0x4: {  	s4 =	simm.s32 $0x0;
	s11 =	stileid.u32;
	s28 =	simm.s32 $0x2  }
0x5: {  	s29 =	simm.s32 $0x100;
	s30 =	simm.s32 $0x50;
	s7 =	smul.u32 $0x14000, s11  }
0x6: {  	s31 =	simm.s32 $0x80;
	s3 =	sand.u32 $0x1, s3;
	s17 =	smul.u32 $0x50000, s11  }
0x7: {  	[smem:$0x7FF] =	sst s4;
	s5 =	sadd.s32 $0x2000, s0;
	s23 =	smul.u32 $0x2710, s11  }
0x8: {  	s6 =	smul.u32 $0x140000, s3;
	_ =	strace $0x8000004A;
	s8 =	sshll.u32 s3, $0x4  }
0x9: {  	s9 =	ssub.s32 $0x2, s3;
	s20 =	smul.u32 $0x27100, s3;
	s3 =	simm.s32 $0x2A00  }
0xa: {  	s14 =	sor.u32 s11, s8;
	s16 =	sshrl.u32 s9, $0x1;
	s6 =	sadd.s32 s7, s6  }
0xb: {  	s7 =	smul.u32 $0x2710, s14;
	s8 =	ssub.s32 s9, s16;
	s9 =	sshrl.u32 s17, $0x2  }
0xc: {  	s15 =	sshrl.u32 s6, $0x3;
	s6 =	sadd.s32 $0xBE00, s0;
	s21 =	smax.u32 s8, $0x1  }
0xd: {  	s8 =	simm.s32 $0x0;
	s0 =	sadd.s32 s15, s0;
	s7 =	sshrl.u32 s7, $0x3  }
0xe: {  	[dreg:$0x9] =	wrdreg s21;
	s10 =	sadd.s32 s5, s7;
	s18 =	sadd.s32 s6, s7  }
0xf: {  	s19 =	sadd.s32 $0xA, s7;
	s0 =	sadd.s32 $0x1FC00, s0;
	[dreg:$0x4] =	wrdreg s10  }
0x10: {  	s24 =	sadd.s32 $0x4D8, s7;
	s7 =	simm.s32 $0x1;
	[dreg:$0x5] =	wrdreg s18  }
0x11: {  	s12 =	sadd.s32 s5, s19;
	s10 =	sadd.s32 s6, s19;
	[dreg:$0x8] =	wrdreg s0  }
0x12: {  	s0 =	sadd.s32 s23, s20;
	s21 =	sadd.s32 s5, s24;
	[dreg:$0x6] =	wrdreg s12  }
0x13: {  	[dreg:$0x7] =	wrdreg s10;
	s12 =	sadd.s32 s9, s2;
	s25 =	sadd.s32 $0xF0, s0  }
0x14: {  	s10 =	sadd.s32 $0xA0, s0;
	s0 =	simm.s32 $0x180;
	s22 =	sadd.s32 $0x2800, s12  }
0x15: {  	s15 =	sadd.s32 $0x5000, s12;
	s16 =	sadd.s32 $0x7800, s12;
	s17 =	sadd.s32 $0xA000, s12  }
0x16: {  	s18 =	sadd.s32 $0xC800, s12;
	s19 =	sadd.s32 $0xF000, s12;
	s20 =	sadd.s32 $0x11800, s12  }
0x17: {  	s26 =	sshrl.u32 s25, $0x3;
	[dreg:$0xa] =	wrdreg s22;
	s22 =	sadd.s32 s6, s24  }
0x18: {  	v0 =	vimm.f32 $0.0e+00;
	s23 =	sadd.s32 s26, s6;
	s24 =	sadd.s32 s26, s5;
	s26 =	simm.s32 $0x200  }
.LBB2_1:
0x19: {  	s9 =	simm.s32 $0x70;
	s25 =	simm.s32 $0x3C0  }
.LBB2_2:
0x1a: {  	p0 =	sne.s32 s25, $0x9FC0;
	[tilespmem:s9+$0x200] =	vst v0  }
0x1b: {  	[tilespmem:s9+$0x190] =	vst v0  }
0x1c: {  	[tilespmem:s9+$0x1A0] =	vst v0  }
.Ltmp0:
0x1d: {  	[tilespmem:s9+$0x1B0] =	vst v0;
	(pc) =	sbr.rel @p0 .LBB2_2-.Ltmp0, $4  }
0x1e: {  	[tilespmem:s9+$0x1C0] =	vst v0  }
0x1f: {  	[tilespmem:s9+$0x1D0] =	vst v0  }
0x20: {  	[tilespmem:s9+$0x1E0] =	vst v0  }
0x21: {  	[tilespmem:s9+$0x1F0] =	vst v0;
	s9 =	sshra.s32 s25, $0x2;
	s25 =	sadd.s32 $0x200, s25  }
0x22: {  	[tilespmem:s9+$0x200] =	vst v0  }
0x23: {  	[tilespmem:s9+$0x190] =	vst v0  }
0x24: {  	[tilespmem:s9+$0x1A0] =	vst v0  }
0x25: {  	[tilespmem:s9+$0x1B0] =	vst v0  }
0x26: {  	[tilespmem:s9+$0x1C0] =	vst v0  }
0x27: {  	[tilespmem:s9+$0x1D0] =	vst v0  }
0x28: {  	[tilespmem:s9+$0x1E0] =	vst v0  }
0x29: {  	[tilespmem:s9+$0x1F0] =	vst v0  }
0x2a: {  	[spmem:s12] =	stream.linear.scatter [tilespmem:s26], [sflag:$0x2], $0x2800, $0x38;
	[tilespmem:$0x19200] =	vst v63  }
0x2b: {  	_ =	swait.ge [sflag:s28], $0x2800  }
0x2c: {  	[sflag:s28] =	ssyncset.done $0x0  }
0x2d: {  	s11 =	rddreg [dreg:$0xa];
	[sflag:s28] =	ssyncadd.s32 $0xFFFFD800  }
0x2e: {  	[spmem:s11] =	stream.linear.scatter [tilespmem:s26], [sflag:$0x2], $0x2800, $0x38;
	[tilespmem:$0x19200] =	vst v63  }
0x2f: {  	_ =	swait.ge [sflag:s28], $0x2800  }
0x30: {  	[sflag:s28] =	ssyncset.done $0x0  }
0x31: {  	[sflag:s28] =	ssyncadd.s32 $0xFFFFD800  }
0x32: {  	[spmem:s15] =	stream.linear.scatter [tilespmem:s26], [sflag:$0x2], $0x2800, $0x38;
	[tilespmem:$0x19200] =	vst v63  }
0x33: {  	_ =	swait.ge [sflag:s28], $0x2800  }
0x34: {  	[sflag:s28] =	ssyncset.done $0x0  }
0x35: {  	[sflag:s28] =	ssyncadd.s32 $0xFFFFD800  }
0x36: {  	[spmem:s16] =	stream.linear.scatter [tilespmem:s26], [sflag:$0x2], $0x2800, $0x38;
	[tilespmem:$0x19200] =	vst v63  }
0x37: {  	_ =	swait.ge [sflag:s28], $0x2800  }
0x38: {  	[sflag:s28] =	ssyncset.done $0x0  }
0x39: {  	[sflag:s28] =	ssyncadd.s32 $0xFFFFD800  }
0x3a: {  	[spmem:s17] =	stream.linear.scatter [tilespmem:s26], [sflag:$0x2], $0x2800, $0x38;
	[tilespmem:$0x19200] =	vst v63  }
0x3b: {  	_ =	swait.ge [sflag:s28], $0x2800  }
0x3c: {  	[sflag:s28] =	ssyncset.done $0x0  }
0x3d: {  	[sflag:s28] =	ssyncadd.s32 $0xFFFFD800  }
0x3e: {  	[spmem:s18] =	stream.linear.scatter [tilespmem:s26], [sflag:$0x2], $0x2800, $0x38;
	[tilespmem:$0x19200] =	vst v63  }
0x3f: {  	_ =	swait.ge [sflag:s28], $0x2800  }
0x40: {  	[sflag:s28] =	ssyncset.done $0x0  }
0x41: {  	[sflag:s28] =	ssyncadd.s32 $0xFFFFD800  }
0x42: {  	[spmem:s19] =	stream.linear.scatter [tilespmem:s26], [sflag:$0x2], $0x2800, $0x38;
	[tilespmem:$0x19200] =	vst v63  }
0x43: {  	_ =	swait.ge [sflag:s28], $0x2800  }
0x44: {  	[sflag:s28] =	ssyncset.done $0x0  }
0x45: {  	[sflag:s28] =	ssyncadd.s32 $0xFFFFD800  }
0x46: {  	[spmem:s20] =	stream.linear.scatter [tilespmem:s26], [sflag:$0x2], $0x2800, $0x38;
	[tilespmem:$0x19200] =	vst v63  }
0x47: {  	_ =	swait.ge [sflag:s28], $0x2800  }
0x48: {  	[sflag:s28] =	ssyncset.done $0x0  }
0x49: {  	[sflag:s28] =	ssyncadd.s32 $0xFFFFD800  }
0x4a: {  	[bflag:$0x0] =	sbarrier.arrive $0xFFFF  }
0x4b: {  	s9 =	simm.s32 $0x0;
	s11 =	rddreg [dreg:$0x4]  }
0x4c: {  	[tilespmem:s9], [sflag:$0x2] =	stream.linear.gather [hbm4b:s11+s9], $0x50, $0x38;
	[tilespmem:$0x19200] =	vst v63  }
0x4d: {  	_ =	swait.ge [sflag:s28], $0x50  }
0x4e: {  	[sflag:s28] =	ssyncset.done $0x0  }
0x4f: {  	s13 =	rddreg [dreg:$0x5];
	[sflag:s28] =	ssyncadd.s32 $0xFFFFFFB0  }
0x50: {  	[tilespmem:s29], [sflag:$0x2] =	stream.linear.gather [hbm4b:s13+s9], $0x50, $0x38;
	[tilespmem:$0x19200] =	vst v63  }
0x51: {  	_ =	swait.ge [sflag:s28], $0x50  }
0x52: {  	[sflag:s28] =	ssyncset.done $0x0  }
0x53: {  	[sflag:s28] =	ssyncadd.s32 $0xFFFFFFB0  }
0x54: {  	[tilespmem:s26], [sflag:$0x2] =	stream.indirect.gather [hbm4b:s1+s30], $0x80, s9, s30, $0xb8;
	[tilespmem:$0x19200] =	vst v63  }
0x55: {  	_ =	swait.ge [sflag:s28], $0x2800  }
0x56: {  	[sflag:s28] =	ssyncset.done $0x0  }
0x57: {  	s14 =	rddreg [dreg:$0x6];
	[sflag:s28] =	ssyncadd.s32 $0xFFFFD800  }
0x58: {  	[tilespmem:s31], [sflag:$0x2] =	stream.linear.gather [hbm4b:s14+s9], $0x50, $0x38;
	[tilespmem:$0x19200] =	vst v63  }
0x59: {  	_ =	swait.ge [sflag:s28], $0x50  }
0x5a: {  	[sflag:s28] =	ssyncset.done $0x0  }
0x5b: {  	s25 =	rddreg [dreg:$0x7];
	[sflag:s28] =	ssyncadd.s32 $0xFFFFFFB0  }
0x5c: {  	[tilespmem:s0], [sflag:$0x2] =	stream.linear.gather [hbm4b:s25+s9], $0x50, $0x38;
	[tilespmem:$0x19200] =	vst v63  }
0x5d: {  	_ =	swait.ge [sflag:s28], $0x50  }
0x5e: {  	[sflag:s28] =	ssyncset.done $0x0  }
0x5f: {  	[sflag:s28] =	ssyncadd.s32 $0xFFFFFFB0  }
0x60: {  	[tilespmem:s3], [sflag:$0x1] =	stream.indirect.gather [hbm4b:s1+s30], $0x80, s31, s30, $0xb8;
	[tilespmem:$0x19200] =	vst v63  }
0x61: {  	_ = 	snop  }
0x62: {  	[spmem:s2] =	stream.indirect.scatter.add.f32 [tilespmem:s26], [sflag:$0x2], $0x80, s29, s30, $0xb8;
	[tilespmem:$0x19200] =	vst v63  }
0x63: {  	_ =	swait.ge [sflag:s28], $0x2800  }
0x64: {  	s13 =	sshrl.u32 s10, $0x3;
	[sflag:s28] =	ssyncset.done $0x0  }
0x65: {  	s25 =	sadd.s32 s5, s13;
	[sflag:s28] =	ssyncadd.s32 $0xFFFFD800  }
0x66: {  	[tilespmem:s4], [sflag:$0x2] =	stream.linear.gather [hbm4b:s25+s4], $0x50, $0x38;
	[tilespmem:$0x19200] =	vst v63  }
0x67: {  	_ =	swait.ge [sflag:s28], $0x50  }
0x68: {  	[sflag:s28] =	ssyncset.done $0x0  }
0x69: {  	s9 =	sadd.s32 s6, s13;
	[sflag:s28] =	ssyncadd.s32 $0xFFFFFFB0  }
0x6a: {  	[tilespmem:s29], [sflag:$0x2] =	stream.linear.gather [hbm4b:s9+s4], $0x50, $0x38;
	[tilespmem:$0x19200] =	vst v63  }
0x6b: {  	_ =	swait.ge [sflag:s28], $0x50  }
0x6c: {  	[sflag:s28] =	ssyncset.done $0x0  }
0x6d: {  	[sflag:s28] =	ssyncadd.s32 $0xFFFFFFB0  }
0x6e: {  	_ =	swait.ge [sflag:s7], $0x2800  }
0x6f: {  	[sflag:s7] =	ssyncset.done $0x0  }
0x70: {  	[sflag:s7] =	ssyncadd.s32 $0xFFFFD800  }
0x71: {  	[tilespmem:s26], [sflag:$0x1] =	stream.indirect.gather [hbm4b:s1+s30], $0x80, s4, s30, $0xb8;
	[tilespmem:$0x19200] =	vst v63  }
0x72: {  	_ = 	snop  }
0x73: {  	[spmem:s2] =	stream.indirect.scatter.add.f32 [tilespmem:s3], [sflag:$0x2], $0x80, s0, s30, $0xb8;
	[tilespmem:$0x19200] =	vst v63  }
0x74: {  	_ =	swait.ge [sflag:s28], $0x2800  }
0x75: {  	[sflag:s28] =	ssyncset.done $0x0  }
0x76: {  	s14 =	sadd.s32 $0x0, s24;
	[sflag:s28] =	ssyncadd.s32 $0xFFFFD800  }
0x77: {  	[tilespmem:s31], [sflag:$0x2] =	stream.linear.gather [hbm4b:s14+s4], $0x50, $0x38;
	[tilespmem:$0x19200] =	vst v63  }
0x78: {  	_ =	swait.ge [sflag:s28], $0x50  }
0x79: {  	[sflag:s28] =	ssyncset.done $0x0  }
0x7a: {  	s25 =	sadd.s32 $0x0, s23;
	[sflag:s28] =	ssyncadd.s32 $0xFFFFFFB0  }
0x7b: {  	[tilespmem:s0], [sflag:$0x2] =	stream.linear.gather [hbm4b:s25+s4], $0x50, $0x38;
	[tilespmem:$0x19200] =	vst v63  }
0x7c: {  	_ =	swait.ge [sflag:s28], $0x50  }
0x7d: {  	[sflag:s28] =	ssyncset.done $0x0  }
0x7e: {  	[sflag:s28] =	ssyncadd.s32 $0xFFFFFFB0  }
0x7f: {  	_ =	swait.ge [sflag:s7], $0x2800  }
0x80: {  	s9 =	simm.s32 $0x14;
	s25 =	smov.u32 s10;
	[sflag:s7] =	ssyncset.done $0x0  }
.LBB2_4:
0x81: {  	p0 =	sne.s32 s9, $0x4B0;
	[sflag:s7] =	ssyncadd.s32 $0xFFFFD800;
	s25 =	sadd.s32 $0xA0, s25  }
0x82: {  	[tilespmem:s3], [sflag:$0x1] =	stream.indirect.gather [hbm4b:s1+s30], $0x80, s31, s30, $0xb8;
	[tilespmem:$0x19200] =	vst v63  }
0x83: {  	s11 =	smov.u32 s9;
	s9 =	sadd.s32 $0x14, s9  }
0x84: {  	[spmem:s2] =	stream.indirect.scatter.add.f32 [tilespmem:s26], [sflag:$0x2], $0x80, s29, s30, $0xb8;
	[tilespmem:$0x19200] =	vst v63  }
0x85: {  	_ =	swait.ge [sflag:s28], $0x2800  }
0x86: {  	s13 =	sshrl.u32 s25, $0x3;
	[sflag:s28] =	ssyncset.done $0x0  }
0x87: {  	s14 =	sadd.s32 s5, s13;
	[sflag:s28] =	ssyncadd.s32 $0xFFFFD800  }
0x88: {  	[tilespmem:s4], [sflag:$0x2] =	stream.linear.gather [hbm4b:s14+s4], $0x50, $0x38;
	[tilespmem:$0x19200] =	vst v63  }
0x89: {  	_ =	swait.ge [sflag:s28], $0x50  }
0x8a: {  	[sflag:s28] =	ssyncset.done $0x0  }
0x8b: {  	s13 =	sadd.s32 s6, s13;
	[sflag:s28] =	ssyncadd.s32 $0xFFFFFFB0  }
0x8c: {  	[tilespmem:s29], [sflag:$0x2] =	stream.linear.gather [hbm4b:s13+s4], $0x50, $0x38;
	[tilespmem:$0x19200] =	vst v63  }
0x8d: {  	_ =	swait.ge [sflag:s28], $0x50  }
0x8e: {  	[sflag:s28] =	ssyncset.done $0x0  }
0x8f: {  	[sflag:s28] =	ssyncadd.s32 $0xFFFFFFB0  }
0x90: {  	_ =	swait.ge [sflag:s7], $0x2800  }
0x91: {  	[sflag:s7] =	ssyncset.done $0x0  }
0x92: {  	[sflag:s7] =	ssyncadd.s32 $0xFFFFD800  }
0x93: {  	[tilespmem:s26], [sflag:$0x1] =	stream.indirect.gather [hbm4b:s1+s30], $0x80, s4, s30, $0xb8;
	[tilespmem:$0x19200] =	vst v63  }
0x94: {  	_ = 	snop  }
0x95: {  	[spmem:s2] =	stream.indirect.scatter.add.f32 [tilespmem:s3], [sflag:$0x2], $0x80, s0, s30, $0xb8;
	[tilespmem:$0x19200] =	vst v63  }
0x96: {  	_ =	swait.ge [sflag:s28], $0x2800  }
0x97: {  	[sflag:s28] =	ssyncset.done $0x0  }
0x98: {  	s13 =	sadd.s32 s11, s24;
	[sflag:s28] =	ssyncadd.s32 $0xFFFFD800  }
0x99: {  	[tilespmem:s31], [sflag:$0x2] =	stream.linear.gather [hbm4b:s13+s4], $0x50, $0x38;
	[tilespmem:$0x19200] =	vst v63  }
0x9a: {  	_ =	swait.ge [sflag:s28], $0x50  }
0x9b: {  	[sflag:s28] =	ssyncset.done $0x0  }
0x9c: {  	s11 =	sadd.s32 s11, s23;
	[sflag:s28] =	ssyncadd.s32 $0xFFFFFFB0  }
0x9d: {  	[tilespmem:s0], [sflag:$0x2] =	stream.linear.gather [hbm4b:s11+s4], $0x50, $0x38;
	[tilespmem:$0x19200] =	vst v63  }
.Ltmp1:
0x9e: {  	_ =	swait.ge [sflag:s28], $0x50;
	(pc) =	sbr.rel @p0 .LBB2_4-.Ltmp1, $4  }
0x9f: {  	[sflag:s28] =	ssyncset.done $0x0  }
0xa0: {  	[sflag:s28] =	ssyncadd.s32 $0xFFFFFFB0  }
0xa1: {  	_ =	swait.ge [sflag:s7], $0x2800  }
0xa2: {  	[sflag:s7] =	ssyncset.done $0x0  }
0xa3: {  	[sflag:s7] =	ssyncadd.s32 $0xFFFFD800  }
0xa4: {  	[tilespmem:s3], [sflag:$0x1] =	stream.indirect.gather [hbm4b:s1+s30], $0x80, s31, s30, $0xb8;
	[tilespmem:$0x19200] =	vst v63  }
0xa5: {  	_ = 	snop  }
0xa6: {  	[spmem:s2] =	stream.indirect.scatter.add.f32 [tilespmem:s26], [sflag:$0x2], $0x80, s29, s30, $0xb8;
	[tilespmem:$0x19200] =	vst v63  }
0xa7: {  	_ =	swait.ge [sflag:s28], $0x2800  }
0xa8: {  	[sflag:s28] =	ssyncset.done $0x0  }
0xa9: {  	[sflag:s28] =	ssyncadd.s32 $0xFFFFD800  }
0xaa: {  	[tilespmem:s4], [sflag:$0x2] =	stream.linear.gather [hbm4b:s21+s4], $0x50, $0x38;
	[tilespmem:$0x19200] =	vst v63  }
0xab: {  	_ =	swait.ge [sflag:s28], $0x50  }
0xac: {  	[sflag:s28] =	ssyncset.done $0x0  }
0xad: {  	[sflag:s28] =	ssyncadd.s32 $0xFFFFFFB0  }
0xae: {  	[tilespmem:s29], [sflag:$0x2] =	stream.linear.gather [hbm4b:s22+s4], $0x50, $0x38;
	[tilespmem:$0x19200] =	vst v63  }
0xaf: {  	_ =	swait.ge [sflag:s28], $0x50  }
0xb0: {  	[sflag:s28] =	ssyncset.done $0x0  }
0xb1: {  	[sflag:s28] =	ssyncadd.s32 $0xFFFFFFB0  }
0xb2: {  	_ =	swait.ge [sflag:s7], $0x2800  }
0xb3: {  	[sflag:s7] =	ssyncset.done $0x0  }
0xb4: {  	[sflag:s7] =	ssyncadd.s32 $0xFFFFD800  }
0xb5: {  	[tilespmem:s26], [sflag:$0x1] =	stream.indirect.gather [hbm4b:s1+s30], $0x80, s4, s30, $0xb8;
	[tilespmem:$0x19200] =	vst v63  }
0xb6: {  	_ = 	snop  }
0xb7: {  	[spmem:s2] =	stream.indirect.scatter.add.f32 [tilespmem:s3], [sflag:$0x2], $0x80, s0, s30, $0xb8;
	[tilespmem:$0x19200] =	vst v63  }
0xb8: {  	_ =	swait.ge [sflag:s28], $0x2800  }
0xb9: {  	[sflag:s28] =	ssyncset.done $0x0  }
0xba: {  	[sflag:s28] =	ssyncadd.s32 $0xFFFFD800  }
0xbb: {  	[tilespmem:s31], [sflag:$0x2] =	stream.linear.gather [hbm4b:s21+s4], $0x50, $0x38;
	[tilespmem:$0x19200] =	vst v63  }
0xbc: {  	_ =	swait.ge [sflag:s28], $0x50  }
0xbd: {  	[sflag:s28] =	ssyncset.done $0x0  }
0xbe: {  	[sflag:s28] =	ssyncadd.s32 $0xFFFFFFB0  }
0xbf: {  	[tilespmem:s0], [sflag:$0x2] =	stream.linear.gather [hbm4b:s22+s4], $0x50, $0x38;
	[tilespmem:$0x19200] =	vst v63  }
0xc0: {  	_ =	swait.ge [sflag:s28], $0x50  }
0xc1: {  	[sflag:s28] =	ssyncset.done $0x0  }
0xc2: {  	[sflag:s28] =	ssyncadd.s32 $0xFFFFFFB0  }
0xc3: {  	_ =	swait.ge [sflag:s7], $0x2800  }
0xc4: {  	[sflag:s7] =	ssyncset.done $0x0  }
0xc5: {  	[sflag:s7] =	ssyncadd.s32 $0xFFFFD800  }
0xc6: {  	[spmem:s2] =	stream.indirect.scatter.add.f32 [tilespmem:s26], [sflag:$0x2], $0x80, s29, s30, $0xb8;
	[tilespmem:$0x19200] =	vst v63  }
0xc7: {  	_ =	swait.ge [sflag:s28], $0x2800  }
0xc8: {  	[sflag:s28] =	ssyncset.done $0x0  }
0xc9: {  	s9 =	stileid.u32;
	[sflag:s28] =	ssyncadd.s32 $0xFFFFD800  }
0xca: {  	s9 =	sshll.u32 s9, $0x6;
	[bflag:$0x0] =	sbarrier.arrive $0xFFFF  }
0xcb: {  	s11 =	sshrl.u32 s12, $0x3;
	s9 =	sor.u32 $0x1C02, s9;
	s13 =	rddreg [dreg:$0x8]  }
0xcc: {  	[hbm:s13], [sflag:s9] =	dma.local [spmem:s11], $0x2800  }
0xcd: {  	_ =	swait.ge [sflag:s28], $0x2800  }
0xce: {  	s8 =	sadd.s32 $0x1, s8;
	s25 =	rddreg [dreg:$0x9]  }
0xcf: {  	p0 =	sne.s32 s8, s25  }
.Ltmp2:
0xd0: {  	_ = 	snop;
	(pc) =	sbr.rel @p0 .LBB2_1-.Ltmp2, $3  }
0xd1: {  	_ =	sdelay $0x1  }
0xd2: {  	[sflag:s28] =	ssyncset.done $0x0  }
0xd3: {  	[sflag:s28] =	ssyncadd.s32 $0xFFFFD800  }
0xd4: {  	_ =	sfence.sel $0x180000  }
0xd5: {  	[bflag:$0x0] =	sbarrier.arrive $0xFFFF  }
0xd6: {  	_ =	strace $0x9000004A  }
0xd7: {  	s0 =	stileid.u32;
	[bflag:$0x2] =	sbarrier.arrive $0xFFFF  }
0xd8: {  	p0 =	sne.s32 s0, $0x0;
	s0 =	rddreg [dreg:$0x3]  }
0xd9: {  	s0 =	sadd.s32 @!p0 $0x100000, s0  }
0xda: {  	[sflag:s0] =	ssyncadd.tile.s32 @!p0 $0x1;
	_ =	shalt  }
.Lfunc_end2:
_tile_overlayer_lowered:
.L_overlay_start_2:
0xdb: {  	(tag) =	ssettag $0x2  }
0xdc: {  	s0 =	rddreg [dreg:$0x0];
	s2 =	stileid.u32  }
0xdd: {  	s1 =	rddreg [dreg:$0x1];
	p0 =	sne.s32 s2, $0x0  }
0xde: {  	s3 =	rddreg [dreg:$0x2];
	[bflag:$0x3] =	sbarrier.arrive $0xFFFF;
	s2 =	simm.s32 @!p0 $0x1C02  }
0xdf: {  	[timem:s3], [sflag:s2] =	dma.local @!p0 [hbm:s0], s1  }
0xe0: {  	s0 =	simm.s32 @!p0 $0x2  }
0xe1: {  	_ =	swait.ge @!p0 [sflag:s0], s1  }
0xe2: {  	s1 =	ssub.s32 @!p0 $0x0, s1;
	[sflag:s0] =	ssyncset.done @!p0 $0x0  }
0xe3: {  	[sflag:s0] =	ssyncadd.s32 @!p0 s1  }
0xe4: {  	[bflag:$0x3] =	sbarrier.arrive $0xFFFF  }
0xe5: {  	_ =	shalt  }

// kernel: kernel.13.cloned.1.call-start
scs
__scs_entry_jumppad:
0x0: {  	(pc) =	sbr.rel $0x88, $3  }
0x1: {  	(tag) =	ssettag $0x0;
	lr =	simm.s32 $0x1  }
0x2: {  	[smem:$0x3F99] =	sst lr;
	_ =	strace $0xD0000000  }
0x3: {  	_ = 	snop  }
0x4: {  	_ = 	snop  }
0x5: {  	_ = 	snop  }
0x6: {  	_ = 	snop  }
0x7: {  	_ = 	snop  }
__scs_overlays_trampoline_lowered:
0x8: {  	[smem:$0x3FA8] =	sst s0  }
0x9: {  	[smem:$0x3FA9] =	sst s1  }
0xa: {  	[smem:$0x3FAA] =	sst s2  }
0xb: {  	[smem:$0x3FAB] =	sst s3  }
0xc: {  	[smem:$0x3FAC] =	sst s4  }
0xd: {  	[smem:$0x3FAD] =	sst s5  }
0xe: {  	[smem:$0x3FAE] =	sst s6  }
0xf: {  	[smem:$0x3FAF] =	sst s7  }
0x10: {  	[smem:$0x3FB0] =	sst s8  }
0x11: {  	[smem:$0x3FB1] =	sst s9;
	s0 =	simm.s32 @!p0 $0x0  }
0x12: {  	s1 =	sld [smem:$0x3F97];
	s0 =	simm.s32 @p0 $0x1  }
0x13: {  	[smem:$0x3FB2] =	sst s0;
	s0 =	simm.s32 @!p1 $0x0  }
0x14: {  	s2 =	sld [smem:$0x3F96];
	s0 =	simm.s32 @p1 $0x1  }
0x15: {  	[smem:$0x3FB3] =	sst s0;
	s0 =	simm.s32 @!p2 $0x0  }
0x16: {  	s3 =	sld [smem:$0x3FDB];
	s0 =	simm.s32 @p2 $0x1  }
0x17: {  	s4 =	simm.s32 $0x1BF5;
	[smem:$0x3FB5] =	sst s0  }
0x18: {  	s0 =	sld [smem:$0x3F98];
	_ =	swait.ge [sflag:s4], $0x0  }
0x19: {  	s7 =	sld [smem:$0x3F99]  }
0x1a: {  	s8 =	sadd.s32 $0xFFFFE003, lr  }
0x1b: {  	s9 =	sadd.s32 $0xFFFFFEF7, lr;
	s5 =	simm.s32 $0xFFFFFFFF;
	p2 =	slt.u32 s8, $0xFFFFF086  }
0x1c: {  	p1 =	slt.u32 s9, $0xF7A;
	s5 =	simm.s32 @!p2 $0x0  }
0x1d: {  	s5 =	simm.s32 @p1 $0x1;
	p0 =	seq.s32 s7, s2  }
0x1e: {  	s7 =	smul.u32 @!p0 $0xF7A, s2;
	p2 =	seq.s32 @!p0 s5, $0x0  }
0x1f: {  	s9 =	smul.u32 $0xF7A, s1;
	s8 =	simm.s32 @!p0 $0x1BF5;
	p2 =	por !p2, p0  }
0x20: {  	[sflag:s8] =	ssyncset.s32 @!p0 $0xFFFFF086;
	s6 =	sadd.s32 @!p0 s3, s7;
	s7 =	simm.s32 @!p0 $0x108  }
0x21: {  	s3 =	sadd.s32 s3, s9;
	s6 =	sadd.s32 @!p0 $0x88, s6;
	s7 =	simm.s32 @p2 $0x1082  }
0x22: {  	[simem:s7], [sflag:s8] =	dma.local @!p0 [hbm:s6], $0xF7A  }
0x23: {  	s9 =	sor.u32 $0xD0000000, s2;
	s6 =	simm.s32 $0x108;
	_ =	swait.ge @!p0 [sflag:s8], $0x0  }
0x24: {  	s3 =	sadd.s32 $0x88, s3;
	s6 =	simm.s32 @!p1 $0x1082;
	[sflag:s4] =	ssyncset.s32 $0xFFFFF086  }
0x25: {  	[simem:s6], [sflag:s4] =	dma.local [hbm:s3], $0xF7A  }
0x26: {  	[smem:$0x3F99] =	sst s1;
	(tag) =	ssettag s2;
	_ =	strace s9  }
0x27: {  	s1 =	sld [smem:$0x3FA9]  }
0x28: {  	s2 =	sld [smem:$0x3FAA]  }
0x29: {  	s4 =	sld [smem:$0x3FAC]  }
0x2a: {  	p0 =	seq.s32 s5, $0x0;
	s5 =	sld [smem:$0x3FAD]  }
0x2b: {  	s6 =	sld [smem:$0x3FAE]  }
0x2c: {  	s7 =	sld [smem:$0x3FAF]  }
0x2d: {  	s3 =	simm.s32 $0x108;
	s8 =	sld [smem:$0x3FB0]  }
0x2e: {  	s3 =	simm.s32 @!p0 $0x1082;
	s9 =	sld [smem:$0x3FB1]  }
0x2f: {  	lr =	sadd.s32 s0, s3;
	s0 =	sld [smem:$0x3FA8]  }
0x30: {  	s3 =	sld [smem:$0x3FAB]  }
0x31: {  	[smem:$0x3FB4] =	sst s10  }
0x32: {  	s10 =	sld [smem:$0x3FB2];
	_ =	sdelay $0x3  }
0x33: {  	p0 =	seq.s32 s10, $0x1;
	s10 =	sld [smem:$0x3FB4];
	_ =	sdelay $0x3  }
0x34: {  	[smem:$0x3FB4] =	sst s10  }
0x35: {  	s10 =	sld [smem:$0x3FB3];
	_ =	sdelay $0x3  }
0x36: {  	p1 =	seq.s32 s10, $0x1;
	s10 =	sld [smem:$0x3FB4];
	_ =	sdelay $0x3  }
0x37: {  	[smem:$0x3FB4] =	sst s10  }
0x38: {  	s10 =	sld [smem:$0x3FB5]  }
0x39: {  	_ = 	snop;
	(pc) =	sbr.ind lr, $3  }
0x3a: {  	_ = 	snop  }
0x3b: {  	_ = 	snop  }
0x3c: {  	p2 =	seq.s32 s10, $0x1;
	s10 =	sld [smem:$0x3FB4]  }
0x3d: {  	_ =	shalt  }
0x3e: {  	_ =	shalt  }
0x3f: {  	_ =	shalt  }
0x40: {  	_ =	shalt  }
0x41: {  	_ =	shalt  }
0x42: {  	_ =	shalt  }
0x43: {  	_ =	shalt  }
0x44: {  	_ =	shalt  }
0x45: {  	_ =	shalt  }
0x46: {  	_ =	shalt  }
0x47: {  	_ =	shalt  }
0x48: {  	_ =	shalt  }
0x49: {  	_ =	shalt  }
0x4a: {  	_ =	shalt  }
0x4b: {  	_ =	shalt  }
0x4c: {  	_ =	shalt  }
0x4d: {  	_ =	shalt  }
0x4e: {  	_ =	shalt  }
0x4f: {  	_ =	shalt  }
0x50: {  	_ =	shalt  }
0x51: {  	_ =	shalt  }
0x52: {  	_ =	shalt  }
0x53: {  	_ =	shalt  }
0x54: {  	_ =	shalt  }
0x55: {  	_ =	shalt  }
0x56: {  	_ =	shalt  }
0x57: {  	_ =	shalt  }
0x58: {  	_ =	shalt  }
0x59: {  	_ =	shalt  }
0x5a: {  	_ =	shalt  }
0x5b: {  	_ =	shalt  }
0x5c: {  	_ =	shalt  }
0x5d: {  	_ =	shalt  }
0x5e: {  	_ =	shalt  }
0x5f: {  	_ =	shalt  }
0x60: {  	_ =	shalt  }
0x61: {  	_ =	shalt  }
0x62: {  	_ =	shalt  }
0x63: {  	_ =	shalt  }
0x64: {  	_ =	shalt  }
0x65: {  	_ =	shalt  }
0x66: {  	_ =	shalt  }
0x67: {  	_ =	shalt  }
0x68: {  	_ =	shalt  }
0x69: {  	_ =	shalt  }
0x6a: {  	_ =	shalt  }
0x6b: {  	_ =	shalt  }
0x6c: {  	_ =	shalt  }
0x6d: {  	_ =	shalt  }
0x6e: {  	_ =	shalt  }
0x6f: {  	_ =	shalt  }
0x70: {  	_ =	shalt  }
0x71: {  	_ =	shalt  }
0x72: {  	_ =	shalt  }
0x73: {  	_ =	shalt  }
0x74: {  	_ =	shalt  }
0x75: {  	_ =	shalt  }
0x76: {  	_ =	shalt  }
0x77: {  	_ =	shalt  }
0x78: {  	_ =	shalt  }
0x79: {  	_ =	shalt  }
0x7a: {  	_ =	shalt  }
0x7b: {  	_ =	shalt  }
0x7c: {  	_ =	shalt  }
0x7d: {  	_ =	shalt  }
0x7e: {  	_ =	shalt  }
0x7f: {  	_ =	shalt  }
0x80: {  	_ =	shalt  }
0x81: {  	_ =	shalt  }
0x82: {  	_ =	shalt  }
0x83: {  	_ =	shalt  }
0x84: {  	_ =	shalt  }
0x85: {  	_ =	shalt  }
0x86: {  	_ =	shalt  }
0x87: {  	_ =	shalt  }
.Lfunc_end0:
.L_simem_size_0:
called_computation.2_lowered:
.L_overlay_start_0:
0x88: {  	s2 =	sld [smem:$0x3FD9]  }
0x89: {  	s3 =	sld [smem:$0x3FFE];
	_ =	sdelay $0x1  }
0x8a: {  	s1 =	srdreg.scid  }
0x8b: {  	s0 =	sand.u32 $0x1, s1  }
0x8c: {  	s17 =	sshll.u32 s0, $0xA;
	s2 =	sadd.s32 s3, s2  }
0x8d: {  	s2 =	sadd.s32 s2, s17  }
0x8e: {  	[smem:$0x3FC0] =	sst s2  }
0x8f: {  	_ = 	snop  }
0x90: {  	s2 =	sld [smem:$0x3FD0];
	(tm) =	ssettm $0x1  }
0x91: {  	s18 =	sld [smem:$0x3FFB];
	_ =	sdelay $0x3  }
0x92: {  	_ =	strace s18  }
0x93: {  	s3 =	sld [smem:$0x3FFC];
	_ =	sdelay $0x3  }
0x94: {  	_ =	strace s3  }
0x95: {  	s3 =	sld [smem:$0x3FFD];
	_ =	sdelay $0x3  }
0x96: {  	_ =	strace s3  }
0x97: {  	_ =	strace $0x8FFFFFFF  }
0x98: {  	s19 =	sld [smem:$0x3FDB];
	_ =	sdelay $0x1  }
0x99: {  	s4 =	simm.s32 $_scs_section_size  }
0x9a: {  	s5 =	simm.s32 $_size__tile_overlayer_lowered;
	s6 =	simm.s32 $_tile_overlayer_lowered  }
0x9b: {  	s22 =	simm.s32 $0x1BFF;
	s21 =	sshll.u32 s6, $0x1;
	s3 =	sadd.s32 s4, s19  }
0x9c: {  	s7 =	simm.s32 $0x0;
	s20 =	sshll.u32 s5, $0x1;
	s5 =	sadd.s32 s21, s3  }
0x9d: {  	[timem:s7], [sflag:s22] =	dma.local [hbm:s5], s20  }
0x9e: {  	_ =	swait.ge [sflag:s22], s20  }
0x9f: {  	s4 =	ssub.s32 $0x0, s20;
	[sflag:s22] =	ssyncset.done $0x0  }
0xa0: {  	[sflag:s22] =	ssyncadd.s32 s4;
	_ =	sdelay $0x1  }
0xa1: {  	s23 =	simm.s32 $0x1B8B  }
0xa2: {  	_ =	swait.ge [sflag:s23], $0x1  }
0xa3: {  	[sflag:s23] =	ssyncset.done $0x0  }
0xa4: {  	s25 =	simm.s32 $0x1B8E;
	s24 =	sld [smem:$0x3FFE];
	[sflag:s23] =	ssyncadd.s32 $0xFFFFFFFF  }
0xa5: {  	s26 =	simm.s32 $execute0_lowered;
	[smem:$0x3FD2] =	sst s25  }
0xa6: {  	s5 =	sshll.u32 s26, $0x1;
	_ =	strace $0x8000004C;
	[dreg:$0x1] =	wrdreg $0xFFFFFFFF  }
0xa7: {  	s28 =	simm.s32 $_size_execute0_lowered;
	s3 =	sadd.s32 s3, s5;
	[dreg:$0x0] =	wrdreg $0x0  }
0xa8: {  	s5 =	sshll.u32 s28, $0x1;
	[dreg:$0x2] =	wrdreg s3  }
0xa9: {  	[dreg:$0x3] =	wrdreg s5  }
0xaa: {  	[dreg:$0x4] =	wrdreg $0xC0  }
0xab: {  	_ =	task [dreg:s7], $0x5FFFF  }
0xac: {  	[dreg:$0x1] =	wrdreg $0xFFFFFFFF  }
0xad: {  	[dreg:$0x0] =	wrdreg $0x60  }
0xae: {  	[dreg:$0x2] =	wrdreg s2  }
0xaf: {  	[dreg:$0x3] =	wrdreg s24  }
0xb0: {  	[dreg:$0x4] =	wrdreg $0x52000  }
0xb1: {  	[dreg:$0x5] =	wrdreg $0x9  }
0xb2: {  	_ =	task.clear_ibuf [dreg:s7], $0x6FFFF;
	_ =	strace $0x9000004C  }
0xb3: {  	s29 =	simm.s32 $0x9;
	_ =	strace $0x8000004E  }
0xb4: {  	_ =	swait.ge [sflag:s29], $0x1  }
0xb5: {  	[sflag:s29] =	ssyncadd.s32 $0xFFFFFFFF  }
0xb6: {  	_ =	strace $0x9000004E  }
0xb7: {  	_ =	sfence  }
0xb8: {  	s30 =	sld [smem:$0x0];
	_ =	sdelay $0x2  }
0xb9: {  	s31 =	sshll.u32 s1, $0xD;
	s1 =	sshrl.u32 s1, $0x2  }
0xba: {  	s3 =	sand.u32 $0x4000, s31;
	s1 =	sadd.s32 s1, s30  }
0xbb: {  	s0 =	sor.u32 s3, s0;
	s1 =	sshll.u32 s1, $0x11  }
0xbc: {  	s0 =	sor.u32 s1, s0  }
0xbd: {  	s0 =	sadd.s32 $0x8F2B, s0  }
0xbe: {  	[sflag:s0] =	ssyncadd.remote.s32 $0x1  }
0xbf: {  	_ =	sfence.sel $0xFFFF  }
0xc0: {  	[dreg:$0x0] =	wrdreg $0xFFFFFFFF;
	(pc) =	sbr.abs _section_cstart, $3  }
0xc1: {  	[dreg:$0x1] =	wrdreg $0xFFFFFFFF  }
0xc2: {  	_ =	task.clear_ibuf [dreg:s7], $0x2FFFF;
	_ =	strace $0x9FFFFFFF  }
0xc3: {  	(tm) =	ssettm $0x7FFFFFFF  }
tec
execute0_lowered:
.L_overlay_start_1:
0x0: {  	(tag) =	ssettag $0x1  }
0x1: {  	s1 =	rddreg [dreg:$0x0]  }
0x2: {  	s0 =	rddreg [dreg:$0x1]  }
0x3: {  	s2 =	rddreg [dreg:$0x2];
	s3 =	srdreg.scid  }
0x4: {  	s4 =	simm.s32 $0x0;
	s11 =	stileid.u32;
	s28 =	simm.s32 $0x2  }
0x5: {  	s29 =	simm.s32 $0x100;
	s30 =	simm.s32 $0x50;
	s7 =	smul.u32 $0x14000, s11  }
0x6: {  	s31 =	simm.s32 $0x80;
	s3 =	sand.u32 $0x1, s3;
	s17 =	smul.u32 $0x50000, s11  }
0x7: {  	[smem:$0x7FF] =	sst s4;
	s5 =	sadd.s32 $0x2000, s0;
	s23 =	smul.u32 $0x2710, s11  }
0x8: {  	s6 =	smul.u32 $0x140000, s3;
	_ =	strace $0x8000004D;
	s8 =	sshll.u32 s3, $0x4  }
0x9: {  	s9 =	ssub.s32 $0x2, s3;
	s20 =	smul.u32 $0x27100, s3;
	s3 =	simm.s32 $0x2A00  }
0xa: {  	s14 =	sor.u32 s11, s8;
	s16 =	sshrl.u32 s9, $0x1;
	s6 =	sadd.s32 s7, s6  }
0xb: {  	s7 =	smul.u32 $0x2710, s14;
	s8 =	ssub.s32 s9, s16;
	s9 =	sshrl.u32 s17, $0x2  }
0xc: {  	s15 =	sshrl.u32 s6, $0x3;
	s6 =	sadd.s32 $0xBE00, s0;
	s21 =	smax.u32 s8, $0x1  }
0xd: {  	s8 =	simm.s32 $0x0;
	s0 =	sadd.s32 s15, s0;
	s7 =	sshrl.u32 s7, $0x3  }
0xe: {  	[dreg:$0x9] =	wrdreg s21;
	s10 =	sadd.s32 s5, s7;
	s18 =	sadd.s32 s6, s7  }
0xf: {  	s19 =	sadd.s32 $0xA, s7;
	s0 =	sadd.s32 $0x15C00, s0;
	[dreg:$0x4] =	wrdreg s10  }
0x10: {  	s24 =	sadd.s32 $0x4D8, s7;
	s7 =	simm.s32 $0x1;
	[dreg:$0x5] =	wrdreg s18  }
0x11: {  	s12 =	sadd.s32 s5, s19;
	s10 =	sadd.s32 s6, s19;
	[dreg:$0x8] =	wrdreg s0  }
0x12: {  	s0 =	sadd.s32 s23, s20;
	s21 =	sadd.s32 s5, s24;
	[dreg:$0x6] =	wrdreg s12  }
0x13: {  	[dreg:$0x7] =	wrdreg s10;
	s12 =	sadd.s32 s9, s2;
	s25 =	sadd.s32 $0xF0, s0  }
0x14: {  	s10 =	sadd.s32 $0xA0, s0;
	s0 =	simm.s32 $0x180;
	s22 =	sadd.s32 $0x2800, s12  }
0x15: {  	s15 =	sadd.s32 $0x5000, s12;
	s16 =	sadd.s32 $0x7800, s12;
	s17 =	sadd.s32 $0xA000, s12  }
0x16: {  	s18 =	sadd.s32 $0xC800, s12;
	s19 =	sadd.s32 $0xF000, s12;
	s20 =	sadd.s32 $0x11800, s12  }
0x17: {  	s26 =	sshrl.u32 s25, $0x3;
	[dreg:$0xa] =	wrdreg s22;
	s22 =	sadd.s32 s6, s24  }
0x18: {  	v0 =	vimm.f32 $0.0e+00;
	s23 =	sadd.s32 s26, s6;
	s24 =	sadd.s32 s26, s5;
	s26 =	simm.s32 $0x200  }
.LBB2_1:
0x19: {  	s9 =	simm.s32 $0x70;
	s25 =	simm.s32 $0x3C0  }
.LBB2_2:
0x1a: {  	p0 =	sne.s32 s25, $0x9FC0;
	[tilespmem:s9+$0x200] =	vst v0  }
0x1b: {  	[tilespmem:s9+$0x190] =	vst v0  }
0x1c: {  	[tilespmem:s9+$0x1A0] =	vst v0  }
.Ltmp0:
0x1d: {  	[tilespmem:s9+$0x1B0] =	vst v0;
	(pc) =	sbr.rel @p0 .LBB2_2-.Ltmp0, $4  }
0x1e: {  	[tilespmem:s9+$0x1C0] =	vst v0  }
0x1f: {  	[tilespmem:s9+$0x1D0] =	vst v0  }
0x20: {  	[tilespmem:s9+$0x1E0] =	vst v0  }
0x21: {  	[tilespmem:s9+$0x1F0] =	vst v0;
	s9 =	sshra.s32 s25, $0x2;
	s25 =	sadd.s32 $0x200, s25  }
0x22: {  	[tilespmem:s9+$0x200] =	vst v0  }
0x23: {  	[tilespmem:s9+$0x190] =	vst v0  }
0x24: {  	[tilespmem:s9+$0x1A0] =	vst v0  }
0x25: {  	[tilespmem:s9+$0x1B0] =	vst v0  }
0x26: {  	[tilespmem:s9+$0x1C0] =	vst v0  }
0x27: {  	[tilespmem:s9+$0x1D0] =	vst v0  }
0x28: {  	[tilespmem:s9+$0x1E0] =	vst v0  }
0x29: {  	[tilespmem:s9+$0x1F0] =	vst v0  }
0x2a: {  	[spmem:s12] =	stream.linear.scatter [tilespmem:s26], [sflag:$0x2], $0x2800, $0x38;
	[tilespmem:$0x19200] =	vst v63  }
0x2b: {  	_ =	swait.ge [sflag:s28], $0x2800  }
0x2c: {  	[sflag:s28] =	ssyncset.done $0x0  }
0x2d: {  	s11 =	rddreg [dreg:$0xa];
	[sflag:s28] =	ssyncadd.s32 $0xFFFFD800  }
0x2e: {  	[spmem:s11] =	stream.linear.scatter [tilespmem:s26], [sflag:$0x2], $0x2800, $0x38;
	[tilespmem:$0x19200] =	vst v63  }
0x2f: {  	_ =	swait.ge [sflag:s28], $0x2800  }
0x30: {  	[sflag:s28] =	ssyncset.done $0x0  }
0x31: {  	[sflag:s28] =	ssyncadd.s32 $0xFFFFD800  }
0x32: {  	[spmem:s15] =	stream.linear.scatter [tilespmem:s26], [sflag:$0x2], $0x2800, $0x38;
	[tilespmem:$0x19200] =	vst v63  }
0x33: {  	_ =	swait.ge [sflag:s28], $0x2800  }
0x34: {  	[sflag:s28] =	ssyncset.done $0x0  }
0x35: {  	[sflag:s28] =	ssyncadd.s32 $0xFFFFD800  }
0x36: {  	[spmem:s16] =	stream.linear.scatter [tilespmem:s26], [sflag:$0x2], $0x2800, $0x38;
	[tilespmem:$0x19200] =	vst v63  }
0x37: {  	_ =	swait.ge [sflag:s28], $0x2800  }
0x38: {  	[sflag:s28] =	ssyncset.done $0x0  }
0x39: {  	[sflag:s28] =	ssyncadd.s32 $0xFFFFD800  }
0x3a: {  	[spmem:s17] =	stream.linear.scatter [tilespmem:s26], [sflag:$0x2], $0x2800, $0x38;
	[tilespmem:$0x19200] =	vst v63  }
0x3b: {  	_ =	swait.ge [sflag:s28], $0x2800  }
0x3c: {  	[sflag:s28] =	ssyncset.done $0x0  }
0x3d: {  	[sflag:s28] =	ssyncadd.s32 $0xFFFFD800  }
0x3e: {  	[spmem:s18] =	stream.linear.scatter [tilespmem:s26], [sflag:$0x2], $0x2800, $0x38;
	[tilespmem:$0x19200] =	vst v63  }
0x3f: {  	_ =	swait.ge [sflag:s28], $0x2800  }
0x40: {  	[sflag:s28] =	ssyncset.done $0x0  }
0x41: {  	[sflag:s28] =	ssyncadd.s32 $0xFFFFD800  }
0x42: {  	[spmem:s19] =	stream.linear.scatter [tilespmem:s26], [sflag:$0x2], $0x2800, $0x38;
	[tilespmem:$0x19200] =	vst v63  }
0x43: {  	_ =	swait.ge [sflag:s28], $0x2800  }
0x44: {  	[sflag:s28] =	ssyncset.done $0x0  }
0x45: {  	[sflag:s28] =	ssyncadd.s32 $0xFFFFD800  }
0x46: {  	[spmem:s20] =	stream.linear.scatter [tilespmem:s26], [sflag:$0x2], $0x2800, $0x38;
	[tilespmem:$0x19200] =	vst v63  }
0x47: {  	_ =	swait.ge [sflag:s28], $0x2800  }
0x48: {  	[sflag:s28] =	ssyncset.done $0x0  }
0x49: {  	[sflag:s28] =	ssyncadd.s32 $0xFFFFD800  }
0x4a: {  	[bflag:$0x0] =	sbarrier.arrive $0xFFFF  }
0x4b: {  	s9 =	simm.s32 $0x0;
	s11 =	rddreg [dreg:$0x4]  }
0x4c: {  	[tilespmem:s9], [sflag:$0x2] =	stream.linear.gather [hbm4b:s11+s9], $0x50, $0x38;
	[tilespmem:$0x19200] =	vst v63  }
0x4d: {  	_ =	swait.ge [sflag:s28], $0x50  }
0x4e: {  	[sflag:s28] =	ssyncset.done $0x0  }
0x4f: {  	s13 =	rddreg [dreg:$0x5];
	[sflag:s28] =	ssyncadd.s32 $0xFFFFFFB0  }
0x50: {  	[tilespmem:s29], [sflag:$0x2] =	stream.linear.gather [hbm4b:s13+s9], $0x50, $0x38;
	[tilespmem:$0x19200] =	vst v63  }
0x51: {  	_ =	swait.ge [sflag:s28], $0x50  }
0x52: {  	[sflag:s28] =	ssyncset.done $0x0  }
0x53: {  	[sflag:s28] =	ssyncadd.s32 $0xFFFFFFB0  }
0x54: {  	[tilespmem:s26], [sflag:$0x2] =	stream.indirect.gather [hbm4b:s1+s30], $0x80, s9, s30, $0xb8;
	[tilespmem:$0x19200] =	vst v63  }
0x55: {  	_ =	swait.ge [sflag:s28], $0x2800  }
0x56: {  	[sflag:s28] =	ssyncset.done $0x0  }
0x57: {  	s14 =	rddreg [dreg:$0x6];
	[sflag:s28] =	ssyncadd.s32 $0xFFFFD800  }
0x58: {  	[tilespmem:s31], [sflag:$0x2] =	stream.linear.gather [hbm4b:s14+s9], $0x50, $0x38;
	[tilespmem:$0x19200] =	vst v63  }
0x59: {  	_ =	swait.ge [sflag:s28], $0x50  }
0x5a: {  	[sflag:s28] =	ssyncset.done $0x0  }
0x5b: {  	s25 =	rddreg [dreg:$0x7];
	[sflag:s28] =	ssyncadd.s32 $0xFFFFFFB0  }
0x5c: {  	[tilespmem:s0], [sflag:$0x2] =	stream.linear.gather [hbm4b:s25+s9], $0x50, $0x38;
	[tilespmem:$0x19200] =	vst v63  }
0x5d: {  	_ =	swait.ge [sflag:s28], $0x50  }
0x5e: {  	[sflag:s28] =	ssyncset.done $0x0  }
0x5f: {  	[sflag:s28] =	ssyncadd.s32 $0xFFFFFFB0  }
0x60: {  	[tilespmem:s3], [sflag:$0x1] =	stream.indirect.gather [hbm4b:s1+s30], $0x80, s31, s30, $0xb8;
	[tilespmem:$0x19200] =	vst v63  }
0x61: {  	_ = 	snop  }
0x62: {  	[spmem:s2] =	stream.indirect.scatter.add.f32 [tilespmem:s26], [sflag:$0x2], $0x80, s29, s30, $0xb8;
	[tilespmem:$0x19200] =	vst v63  }
0x63: {  	_ =	swait.ge [sflag:s28], $0x2800  }
0x64: {  	s13 =	sshrl.u32 s10, $0x3;
	[sflag:s28] =	ssyncset.done $0x0  }
0x65: {  	s25 =	sadd.s32 s5, s13;
	[sflag:s28] =	ssyncadd.s32 $0xFFFFD800  }
0x66: {  	[tilespmem:s4], [sflag:$0x2] =	stream.linear.gather [hbm4b:s25+s4], $0x50, $0x38;
	[tilespmem:$0x19200] =	vst v63  }
0x67: {  	_ =	swait.ge [sflag:s28], $0x50  }
0x68: {  	[sflag:s28] =	ssyncset.done $0x0  }
0x69: {  	s9 =	sadd.s32 s6, s13;
	[sflag:s28] =	ssyncadd.s32 $0xFFFFFFB0  }
0x6a: {  	[tilespmem:s29], [sflag:$0x2] =	stream.linear.gather [hbm4b:s9+s4], $0x50, $0x38;
	[tilespmem:$0x19200] =	vst v63  }
0x6b: {  	_ =	swait.ge [sflag:s28], $0x50  }
0x6c: {  	[sflag:s28] =	ssyncset.done $0x0  }
0x6d: {  	[sflag:s28] =	ssyncadd.s32 $0xFFFFFFB0  }
0x6e: {  	_ =	swait.ge [sflag:s7], $0x2800  }
0x6f: {  	[sflag:s7] =	ssyncset.done $0x0  }
0x70: {  	[sflag:s7] =	ssyncadd.s32 $0xFFFFD800  }
0x71: {  	[tilespmem:s26], [sflag:$0x1] =	stream.indirect.gather [hbm4b:s1+s30], $0x80, s4, s30, $0xb8;
	[tilespmem:$0x19200] =	vst v63  }
0x72: {  	_ = 	snop  }
0x73: {  	[spmem:s2] =	stream.indirect.scatter.add.f32 [tilespmem:s3], [sflag:$0x2], $0x80, s0, s30, $0xb8;
	[tilespmem:$0x19200] =	vst v63  }
0x74: {  	_ =	swait.ge [sflag:s28], $0x2800  }
0x75: {  	[sflag:s28] =	ssyncset.done $0x0  }
0x76: {  	s14 =	sadd.s32 $0x0, s24;
	[sflag:s28] =	ssyncadd.s32 $0xFFFFD800  }
0x77: {  	[tilespmem:s31], [sflag:$0x2] =	stream.linear.gather [hbm4b:s14+s4], $0x50, $0x38;
	[tilespmem:$0x19200] =	vst v63  }
0x78: {  	_ =	swait.ge [sflag:s28], $0x50  }
0x79: {  	[sflag:s28] =	ssyncset.done $0x0  }
0x7a: {  	s25 =	sadd.s32 $0x0, s23;
	[sflag:s28] =	ssyncadd.s32 $0xFFFFFFB0  }
0x7b: {  	[tilespmem:s0], [sflag:$0x2] =	stream.linear.gather [hbm4b:s25+s4], $0x50, $0x38;
	[tilespmem:$0x19200] =	vst v63  }
0x7c: {  	_ =	swait.ge [sflag:s28], $0x50  }
0x7d: {  	[sflag:s28] =	ssyncset.done $0x0  }
0x7e: {  	[sflag:s28] =	ssyncadd.s32 $0xFFFFFFB0  }
0x7f: {  	_ =	swait.ge [sflag:s7], $0x2800  }
0x80: {  	s9 =	simm.s32 $0x14;
	s25 =	smov.u32 s10;
	[sflag:s7] =	ssyncset.done $0x0  }
.LBB2_4:
0x81: {  	p0 =	sne.s32 s9, $0x4B0;
	[sflag:s7] =	ssyncadd.s32 $0xFFFFD800;
	s25 =	sadd.s32 $0xA0, s25  }
0x82: {  	[tilespmem:s3], [sflag:$0x1] =	stream.indirect.gather [hbm4b:s1+s30], $0x80, s31, s30, $0xb8;
	[tilespmem:$0x19200] =	vst v63  }
0x83: {  	s11 =	smov.u32 s9;
	s9 =	sadd.s32 $0x14, s9  }
0x84: {  	[spmem:s2] =	stream.indirect.scatter.add.f32 [tilespmem:s26], [sflag:$0x2], $0x80, s29, s30, $0xb8;
	[tilespmem:$0x19200] =	vst v63  }
0x85: {  	_ =	swait.ge [sflag:s28], $0x2800  }
0x86: {  	s13 =	sshrl.u32 s25, $0x3;
	[sflag:s28] =	ssyncset.done $0x0  }
0x87: {  	s14 =	sadd.s32 s5, s13;
	[sflag:s28] =	ssyncadd.s32 $0xFFFFD800  }
0x88: {  	[tilespmem:s4], [sflag:$0x2] =	stream.linear.gather [hbm4b:s14+s4], $0x50, $0x38;
	[tilespmem:$0x19200] =	vst v63  }
0x89: {  	_ =	swait.ge [sflag:s28], $0x50  }
0x8a: {  	[sflag:s28] =	ssyncset.done $0x0  }
0x8b: {  	s13 =	sadd.s32 s6, s13;
	[sflag:s28] =	ssyncadd.s32 $0xFFFFFFB0  }
0x8c: {  	[tilespmem:s29], [sflag:$0x2] =	stream.linear.gather [hbm4b:s13+s4], $0x50, $0x38;
	[tilespmem:$0x19200] =	vst v63  }
0x8d: {  	_ =	swait.ge [sflag:s28], $0x50  }
0x8e: {  	[sflag:s28] =	ssyncset.done $0x0  }
0x8f: {  	[sflag:s28] =	ssyncadd.s32 $0xFFFFFFB0  }
0x90: {  	_ =	swait.ge [sflag:s7], $0x2800  }
0x91: {  	[sflag:s7] =	ssyncset.done $0x0  }
0x92: {  	[sflag:s7] =	ssyncadd.s32 $0xFFFFD800  }
0x93: {  	[tilespmem:s26], [sflag:$0x1] =	stream.indirect.gather [hbm4b:s1+s30], $0x80, s4, s30, $0xb8;
	[tilespmem:$0x19200] =	vst v63  }
0x94: {  	_ = 	snop  }
0x95: {  	[spmem:s2] =	stream.indirect.scatter.add.f32 [tilespmem:s3], [sflag:$0x2], $0x80, s0, s30, $0xb8;
	[tilespmem:$0x19200] =	vst v63  }
0x96: {  	_ =	swait.ge [sflag:s28], $0x2800  }
0x97: {  	[sflag:s28] =	ssyncset.done $0x0  }
0x98: {  	s13 =	sadd.s32 s11, s24;
	[sflag:s28] =	ssyncadd.s32 $0xFFFFD800  }
0x99: {  	[tilespmem:s31], [sflag:$0x2] =	stream.linear.gather [hbm4b:s13+s4], $0x50, $0x38;
	[tilespmem:$0x19200] =	vst v63  }
0x9a: {  	_ =	swait.ge [sflag:s28], $0x50  }
0x9b: {  	[sflag:s28] =	ssyncset.done $0x0  }
0x9c: {  	s11 =	sadd.s32 s11, s23;
	[sflag:s28] =	ssyncadd.s32 $0xFFFFFFB0  }
0x9d: {  	[tilespmem:s0], [sflag:$0x2] =	stream.linear.gather [hbm4b:s11+s4], $0x50, $0x38;
	[tilespmem:$0x19200] =	vst v63  }
.Ltmp1:
0x9e: {  	_ =	swait.ge [sflag:s28], $0x50;
	(pc) =	sbr.rel @p0 .LBB2_4-.Ltmp1, $4  }
0x9f: {  	[sflag:s28] =	ssyncset.done $0x0  }
0xa0: {  	[sflag:s28] =	ssyncadd.s32 $0xFFFFFFB0  }
0xa1: {  	_ =	swait.ge [sflag:s7], $0x2800  }
0xa2: {  	[sflag:s7] =	ssyncset.done $0x0  }
0xa3: {  	[sflag:s7] =	ssyncadd.s32 $0xFFFFD800  }
0xa4: {  	[tilespmem:s3], [sflag:$0x1] =	stream.indirect.gather [hbm4b:s1+s30], $0x80, s31, s30, $0xb8;
	[tilespmem:$0x19200] =	vst v63  }
0xa5: {  	_ = 	snop  }
0xa6: {  	[spmem:s2] =	stream.indirect.scatter.add.f32 [tilespmem:s26], [sflag:$0x2], $0x80, s29, s30, $0xb8;
	[tilespmem:$0x19200] =	vst v63  }
0xa7: {  	_ =	swait.ge [sflag:s28], $0x2800  }
0xa8: {  	[sflag:s28] =	ssyncset.done $0x0  }
0xa9: {  	[sflag:s28] =	ssyncadd.s32 $0xFFFFD800  }
0xaa: {  	[tilespmem:s4], [sflag:$0x2] =	stream.linear.gather [hbm4b:s21+s4], $0x50, $0x38;
	[tilespmem:$0x19200] =	vst v63  }
0xab: {  	_ =	swait.ge [sflag:s28], $0x50  }
0xac: {  	[sflag:s28] =	ssyncset.done $0x0  }
0xad: {  	[sflag:s28] =	ssyncadd.s32 $0xFFFFFFB0  }
0xae: {  	[tilespmem:s29], [sflag:$0x2] =	stream.linear.gather [hbm4b:s22+s4], $0x50, $0x38;
	[tilespmem:$0x19200] =	vst v63  }
0xaf: {  	_ =	swait.ge [sflag:s28], $0x50  }
0xb0: {  	[sflag:s28] =	ssyncset.done $0x0  }
0xb1: {  	[sflag:s28] =	ssyncadd.s32 $0xFFFFFFB0  }
0xb2: {  	_ =	swait.ge [sflag:s7], $0x2800  }
0xb3: {  	[sflag:s7] =	ssyncset.done $0x0  }
0xb4: {  	[sflag:s7] =	ssyncadd.s32 $0xFFFFD800  }
0xb5: {  	[tilespmem:s26], [sflag:$0x1] =	stream.indirect.gather [hbm4b:s1+s30], $0x80, s4, s30, $0xb8;
	[tilespmem:$0x19200] =	vst v63  }
0xb6: {  	_ = 	snop  }
0xb7: {  	[spmem:s2] =	stream.indirect.scatter.add.f32 [tilespmem:s3], [sflag:$0x2], $0x80, s0, s30, $0xb8;
	[tilespmem:$0x19200] =	vst v63  }
0xb8: {  	_ =	swait.ge [sflag:s28], $0x2800  }
0xb9: {  	[sflag:s28] =	ssyncset.done $0x0  }
0xba: {  	[sflag:s28] =	ssyncadd.s32 $0xFFFFD800  }
0xbb: {  	[tilespmem:s31], [sflag:$0x2] =	stream.linear.gather [hbm4b:s21+s4], $0x50, $0x38;
	[tilespmem:$0x19200] =	vst v63  }
0xbc: {  	_ =	swait.ge [sflag:s28], $0x50  }
0xbd: {  	[sflag:s28] =	ssyncset.done $0x0  }
0xbe: {  	[sflag:s28] =	ssyncadd.s32 $0xFFFFFFB0  }
0xbf: {  	[tilespmem:s0], [sflag:$0x2] =	stream.linear.gather [hbm4b:s22+s4], $0x50, $0x38;
	[tilespmem:$0x19200] =	vst v63  }
0xc0: {  	_ =	swait.ge [sflag:s28], $0x50  }
0xc1: {  	[sflag:s28] =	ssyncset.done $0x0  }
0xc2: {  	[sflag:s28] =	ssyncadd.s32 $0xFFFFFFB0  }
0xc3: {  	_ =	swait.ge [sflag:s7], $0x2800  }
0xc4: {  	[sflag:s7] =	ssyncset.done $0x0  }
0xc5: {  	[sflag:s7] =	ssyncadd.s32 $0xFFFFD800  }
0xc6: {  	[spmem:s2] =	stream.indirect.scatter.add.f32 [tilespmem:s26], [sflag:$0x2], $0x80, s29, s30, $0xb8;
	[tilespmem:$0x19200] =	vst v63  }
0xc7: {  	_ =	swait.ge [sflag:s28], $0x2800  }
0xc8: {  	[sflag:s28] =	ssyncset.done $0x0  }
0xc9: {  	s9 =	stileid.u32;
	[sflag:s28] =	ssyncadd.s32 $0xFFFFD800  }
0xca: {  	s9 =	sshll.u32 s9, $0x6;
	[bflag:$0x0] =	sbarrier.arrive $0xFFFF  }
0xcb: {  	s11 =	sshrl.u32 s12, $0x3;
	s9 =	sor.u32 $0x1C02, s9;
	s13 =	rddreg [dreg:$0x8]  }
0xcc: {  	[hbm:s13], [sflag:s9] =	dma.local [spmem:s11], $0x2800  }
0xcd: {  	_ =	swait.ge [sflag:s28], $0x2800  }
0xce: {  	s8 =	sadd.s32 $0x1, s8;
	s25 =	rddreg [dreg:$0x9]  }
0xcf: {  	p0 =	sne.s32 s8, s25  }
.Ltmp2:
0xd0: {  	_ = 	snop;
	(pc) =	sbr.rel @p0 .LBB2_1-.Ltmp2, $3  }
0xd1: {  	_ =	sdelay $0x1  }
0xd2: {  	[sflag:s28] =	ssyncset.done $0x0  }
0xd3: {  	[sflag:s28] =	ssyncadd.s32 $0xFFFFD800  }
0xd4: {  	_ =	sfence.sel $0x180000  }
0xd5: {  	[bflag:$0x0] =	sbarrier.arrive $0xFFFF  }
0xd6: {  	_ =	strace $0x9000004D  }
0xd7: {  	s0 =	stileid.u32;
	[bflag:$0x2] =	sbarrier.arrive $0xFFFF  }
0xd8: {  	p0 =	sne.s32 s0, $0x0;
	s0 =	rddreg [dreg:$0x3]  }
0xd9: {  	s0 =	sadd.s32 @!p0 $0x100000, s0  }
0xda: {  	[sflag:s0] =	ssyncadd.tile.s32 @!p0 $0x1;
	_ =	shalt  }
.Lfunc_end2:
_tile_overlayer_lowered:
.L_overlay_start_2:
0xdb: {  	(tag) =	ssettag $0x2  }
0xdc: {  	s0 =	rddreg [dreg:$0x0];
	s2 =	stileid.u32  }
0xdd: {  	s1 =	rddreg [dreg:$0x1];
	p0 =	sne.s32 s2, $0x0  }
0xde: {  	s3 =	rddreg [dreg:$0x2];
	[bflag:$0x3] =	sbarrier.arrive $0xFFFF;
	s2 =	simm.s32 @!p0 $0x1C02  }
0xdf: {  	[timem:s3], [sflag:s2] =	dma.local @!p0 [hbm:s0], s1  }
0xe0: {  	s0 =	simm.s32 @!p0 $0x2  }
0xe1: {  	_ =	swait.ge @!p0 [sflag:s0], s1  }
0xe2: {  	s1 =	ssub.s32 @!p0 $0x0, s1;
	[sflag:s0] =	ssyncset.done @!p0 $0x0  }
0xe3: {  	[sflag:s0] =	ssyncadd.s32 @!p0 s1  }
0xe4: {  	[bflag:$0x3] =	sbarrier.arrive $0xFFFF  }
0xe5: {  	_ =	shalt  }

// kernel: kernel.7.cloned.1.call-start
scs
__scs_entry_jumppad:
0x0: {  	(pc) =	sbr.rel $0x88, $3  }
0x1: {  	(tag) =	ssettag $0x0;
	lr =	simm.s32 $0x1  }
0x2: {  	[smem:$0x3F99] =	sst lr;
	_ =	strace $0xD0000000  }
0x3: {  	_ = 	snop  }
0x4: {  	_ = 	snop  }
0x5: {  	_ = 	snop  }
0x6: {  	_ = 	snop  }
0x7: {  	_ = 	snop  }
__scs_overlays_trampoline_lowered:
0x8: {  	[smem:$0x3FA8] =	sst s0  }
0x9: {  	[smem:$0x3FA9] =	sst s1  }
0xa: {  	[smem:$0x3FAA] =	sst s2  }
0xb: {  	[smem:$0x3FAB] =	sst s3  }
0xc: {  	[smem:$0x3FAC] =	sst s4  }
0xd: {  	[smem:$0x3FAD] =	sst s5  }
0xe: {  	[smem:$0x3FAE] =	sst s6  }
0xf: {  	[smem:$0x3FAF] =	sst s7  }
0x10: {  	[smem:$0x3FB0] =	sst s8  }
0x11: {  	[smem:$0x3FB1] =	sst s9;
	s0 =	simm.s32 @!p0 $0x0  }
0x12: {  	s1 =	sld [smem:$0x3F97];
	s0 =	simm.s32 @p0 $0x1  }
0x13: {  	[smem:$0x3FB2] =	sst s0;
	s0 =	simm.s32 @!p1 $0x0  }
0x14: {  	s2 =	sld [smem:$0x3F96];
	s0 =	simm.s32 @p1 $0x1  }
0x15: {  	[smem:$0x3FB3] =	sst s0;
	s0 =	simm.s32 @!p2 $0x0  }
0x16: {  	s3 =	sld [smem:$0x3FDB];
	s0 =	simm.s32 @p2 $0x1  }
0x17: {  	s4 =	simm.s32 $0x1BF5;
	[smem:$0x3FB5] =	sst s0  }
0x18: {  	s0 =	sld [smem:$0x3F98];
	_ =	swait.ge [sflag:s4], $0x0  }
0x19: {  	s7 =	sld [smem:$0x3F99]  }
0x1a: {  	s8 =	sadd.s32 $0xFFFFE003, lr  }
0x1b: {  	s9 =	sadd.s32 $0xFFFFFEF7, lr;
	s5 =	simm.s32 $0xFFFFFFFF;
	p2 =	slt.u32 s8, $0xFFFFF086  }
0x1c: {  	p1 =	slt.u32 s9, $0xF7A;
	s5 =	simm.s32 @!p2 $0x0  }
0x1d: {  	s5 =	simm.s32 @p1 $0x1;
	p0 =	seq.s32 s7, s2  }
0x1e: {  	s7 =	smul.u32 @!p0 $0xF7A, s2;
	p2 =	seq.s32 @!p0 s5, $0x0  }
0x1f: {  	s9 =	smul.u32 $0xF7A, s1;
	s8 =	simm.s32 @!p0 $0x1BF5;
	p2 =	por !p2, p0  }
0x20: {  	[sflag:s8] =	ssyncset.s32 @!p0 $0xFFFFF086;
	s6 =	sadd.s32 @!p0 s3, s7;
	s7 =	simm.s32 @!p0 $0x108  }
0x21: {  	s3 =	sadd.s32 s3, s9;
	s6 =	sadd.s32 @!p0 $0x88, s6;
	s7 =	simm.s32 @p2 $0x1082  }
0x22: {  	[simem:s7], [sflag:s8] =	dma.local @!p0 [hbm:s6], $0xF7A  }
0x23: {  	s9 =	sor.u32 $0xD0000000, s2;
	s6 =	simm.s32 $0x108;
	_ =	swait.ge @!p0 [sflag:s8], $0x0  }
0x24: {  	s3 =	sadd.s32 $0x88, s3;
	s6 =	simm.s32 @!p1 $0x1082;
	[sflag:s4] =	ssyncset.s32 $0xFFFFF086  }
0x25: {  	[simem:s6], [sflag:s4] =	dma.local [hbm:s3], $0xF7A  }
0x26: {  	[smem:$0x3F99] =	sst s1;
	(tag) =	ssettag s2;
	_ =	strace s9  }
0x27: {  	s1 =	sld [smem:$0x3FA9]  }
0x28: {  	s2 =	sld [smem:$0x3FAA]  }
0x29: {  	s4 =	sld [smem:$0x3FAC]  }
0x2a: {  	p0 =	seq.s32 s5, $0x0;
	s5 =	sld [smem:$0x3FAD]  }
0x2b: {  	s6 =	sld [smem:$0x3FAE]  }
0x2c: {  	s7 =	sld [smem:$0x3FAF]  }
0x2d: {  	s3 =	simm.s32 $0x108;
	s8 =	sld [smem:$0x3FB0]  }
0x2e: {  	s3 =	simm.s32 @!p0 $0x1082;
	s9 =	sld [smem:$0x3FB1]  }
0x2f: {  	lr =	sadd.s32 s0, s3;
	s0 =	sld [smem:$0x3FA8]  }
0x30: {  	s3 =	sld [smem:$0x3FAB]  }
0x31: {  	[smem:$0x3FB4] =	sst s10  }
0x32: {  	s10 =	sld [smem:$0x3FB2];
	_ =	sdelay $0x3  }
0x33: {  	p0 =	seq.s32 s10, $0x1;
	s10 =	sld [smem:$0x3FB4];
	_ =	sdelay $0x3  }
0x34: {  	[smem:$0x3FB4] =	sst s10  }
0x35: {  	s10 =	sld [smem:$0x3FB3];
	_ =	sdelay $0x3  }
0x36: {  	p1 =	seq.s32 s10, $0x1;
	s10 =	sld [smem:$0x3FB4];
	_ =	sdelay $0x3  }
0x37: {  	[smem:$0x3FB4] =	sst s10  }
0x38: {  	s10 =	sld [smem:$0x3FB5]  }
0x39: {  	_ = 	snop;
	(pc) =	sbr.ind lr, $3  }
0x3a: {  	_ = 	snop  }
0x3b: {  	_ = 	snop  }
0x3c: {  	p2 =	seq.s32 s10, $0x1;
	s10 =	sld [smem:$0x3FB4]  }
0x3d: {  	_ =	shalt  }
0x3e: {  	_ =	shalt  }
0x3f: {  	_ =	shalt  }
0x40: {  	_ =	shalt  }
0x41: {  	_ =	shalt  }
0x42: {  	_ =	shalt  }
0x43: {  	_ =	shalt  }
0x44: {  	_ =	shalt  }
0x45: {  	_ =	shalt  }
0x46: {  	_ =	shalt  }
0x47: {  	_ =	shalt  }
0x48: {  	_ =	shalt  }
0x49: {  	_ =	shalt  }
0x4a: {  	_ =	shalt  }
0x4b: {  	_ =	shalt  }
0x4c: {  	_ =	shalt  }
0x4d: {  	_ =	shalt  }
0x4e: {  	_ =	shalt  }
0x4f: {  	_ =	shalt  }
0x50: {  	_ =	shalt  }
0x51: {  	_ =	shalt  }
0x52: {  	_ =	shalt  }
0x53: {  	_ =	shalt  }
0x54: {  	_ =	shalt  }
0x55: {  	_ =	shalt  }
0x56: {  	_ =	shalt  }
0x57: {  	_ =	shalt  }
0x58: {  	_ =	shalt  }
0x59: {  	_ =	shalt  }
0x5a: {  	_ =	shalt  }
0x5b: {  	_ =	shalt  }
0x5c: {  	_ =	shalt  }
0x5d: {  	_ =	shalt  }
0x5e: {  	_ =	shalt  }
0x5f: {  	_ =	shalt  }
0x60: {  	_ =	shalt  }
0x61: {  	_ =	shalt  }
0x62: {  	_ =	shalt  }
0x63: {  	_ =	shalt  }
0x64: {  	_ =	shalt  }
0x65: {  	_ =	shalt  }
0x66: {  	_ =	shalt  }
0x67: {  	_ =	shalt  }
0x68: {  	_ =	shalt  }
0x69: {  	_ =	shalt  }
0x6a: {  	_ =	shalt  }
0x6b: {  	_ =	shalt  }
0x6c: {  	_ =	shalt  }
0x6d: {  	_ =	shalt  }
0x6e: {  	_ =	shalt  }
0x6f: {  	_ =	shalt  }
0x70: {  	_ =	shalt  }
0x71: {  	_ =	shalt  }
0x72: {  	_ =	shalt  }
0x73: {  	_ =	shalt  }
0x74: {  	_ =	shalt  }
0x75: {  	_ =	shalt  }
0x76: {  	_ =	shalt  }
0x77: {  	_ =	shalt  }
0x78: {  	_ =	shalt  }
0x79: {  	_ =	shalt  }
0x7a: {  	_ =	shalt  }
0x7b: {  	_ =	shalt  }
0x7c: {  	_ =	shalt  }
0x7d: {  	_ =	shalt  }
0x7e: {  	_ =	shalt  }
0x7f: {  	_ =	shalt  }
0x80: {  	_ =	shalt  }
0x81: {  	_ =	shalt  }
0x82: {  	_ =	shalt  }
0x83: {  	_ =	shalt  }
0x84: {  	_ =	shalt  }
0x85: {  	_ =	shalt  }
0x86: {  	_ =	shalt  }
0x87: {  	_ =	shalt  }
.Lfunc_end0:
.L_simem_size_0:
called_computation_lowered:
.L_overlay_start_0:
0x88: {  	s2 =	sld [smem:$0x3FD9]  }
0x89: {  	s3 =	sld [smem:$0x3FFE];
	_ =	sdelay $0x1  }
0x8a: {  	s1 =	srdreg.scid  }
0x8b: {  	s0 =	sand.u32 $0x1, s1  }
0x8c: {  	s17 =	sshll.u32 s0, $0xA;
	s2 =	sadd.s32 s3, s2  }
0x8d: {  	s2 =	sadd.s32 s2, s17  }
0x8e: {  	[smem:$0x3FC0] =	sst s2  }
0x8f: {  	_ = 	snop  }
0x90: {  	s2 =	sld [smem:$0x3FD0];
	(tm) =	ssettm $0x1  }
0x91: {  	s18 =	sld [smem:$0x3FFB];
	_ =	sdelay $0x3  }
0x92: {  	_ =	strace s18  }
0x93: {  	s3 =	sld [smem:$0x3FFC];
	_ =	sdelay $0x3  }
0x94: {  	_ =	strace s3  }
0x95: {  	s3 =	sld [smem:$0x3FFD];
	_ =	sdelay $0x3  }
0x96: {  	_ =	strace s3  }
0x97: {  	_ =	strace $0x8FFFFFFF  }
0x98: {  	s19 =	sld [smem:$0x3FDB];
	_ =	sdelay $0x1  }
0x99: {  	s4 =	simm.s32 $_scs_section_size  }
0x9a: {  	s5 =	simm.s32 $_size__tile_overlayer_lowered;
	s6 =	simm.s32 $_tile_overlayer_lowered  }
0x9b: {  	s22 =	simm.s32 $0x1BFF;
	s21 =	sshll.u32 s6, $0x1;
	s3 =	sadd.s32 s4, s19  }
0x9c: {  	s7 =	simm.s32 $0x0;
	s20 =	sshll.u32 s5, $0x1;
	s5 =	sadd.s32 s21, s3  }
0x9d: {  	[timem:s7], [sflag:s22] =	dma.local [hbm:s5], s20  }
0x9e: {  	_ =	swait.ge [sflag:s22], s20  }
0x9f: {  	s4 =	ssub.s32 $0x0, s20;
	[sflag:s22] =	ssyncset.done $0x0  }
0xa0: {  	[sflag:s22] =	ssyncadd.s32 s4;
	_ =	sdelay $0x1  }
0xa1: {  	s23 =	simm.s32 $0x1B8B  }
0xa2: {  	_ =	swait.ge [sflag:s23], $0x1  }
0xa3: {  	[sflag:s23] =	ssyncset.done $0x0  }
0xa4: {  	s25 =	simm.s32 $0x1B8E;
	s24 =	sld [smem:$0x3FFE];
	[sflag:s23] =	ssyncadd.s32 $0xFFFFFFFF  }
0xa5: {  	s26 =	simm.s32 $execute0_lowered;
	[smem:$0x3FD2] =	sst s25  }
0xa6: {  	s5 =	sshll.u32 s26, $0x1;
	_ =	strace $0x80000046;
	[dreg:$0x1] =	wrdreg $0xFFFFFFFF  }
0xa7: {  	s28 =	simm.s32 $_size_execute0_lowered;
	s3 =	sadd.s32 s3, s5;
	[dreg:$0x0] =	wrdreg $0x0  }
0xa8: {  	s5 =	sshll.u32 s28, $0x1;
	[dreg:$0x2] =	wrdreg s3  }
0xa9: {  	[dreg:$0x3] =	wrdreg s5  }
0xaa: {  	[dreg:$0x4] =	wrdreg $0xC0  }
0xab: {  	_ =	task [dreg:s7], $0x5FFFF  }
0xac: {  	[dreg:$0x1] =	wrdreg $0xFFFFFFFF  }
0xad: {  	[dreg:$0x0] =	wrdreg $0x60  }
0xae: {  	[dreg:$0x2] =	wrdreg s2  }
0xaf: {  	[dreg:$0x3] =	wrdreg s24  }
0xb0: {  	[dreg:$0x4] =	wrdreg $0x9  }
0xb1: {  	_ =	task.clear_ibuf [dreg:s7], $0x5FFFF;
	_ =	strace $0x90000046  }
0xb2: {  	s29 =	simm.s32 $0x9;
	_ =	strace $0x80000048  }
0xb3: {  	_ =	swait.ge [sflag:s29], $0x1  }
0xb4: {  	[sflag:s29] =	ssyncadd.s32 $0xFFFFFFFF  }
0xb5: {  	_ =	strace $0x90000048  }
0xb6: {  	_ =	sfence  }
0xb7: {  	s30 =	sld [smem:$0x0];
	_ =	sdelay $0x2  }
0xb8: {  	s31 =	sshll.u32 s1, $0xD;
	s1 =	sshrl.u32 s1, $0x2  }
0xb9: {  	s3 =	sand.u32 $0x4000, s31;
	s1 =	sadd.s32 s1, s30  }
0xba: {  	s0 =	sor.u32 s3, s0;
	s1 =	sshll.u32 s1, $0x11  }
0xbb: {  	s0 =	sor.u32 s1, s0  }
0xbc: {  	s0 =	sadd.s32 $0x8F2B, s0  }
0xbd: {  	[sflag:s0] =	ssyncadd.remote.s32 $0x1  }
0xbe: {  	_ =	sfence.sel $0xFFFF  }
0xbf: {  	[dreg:$0x0] =	wrdreg $0xFFFFFFFF;
	(pc) =	sbr.abs _section_cstart, $3  }
0xc0: {  	[dreg:$0x1] =	wrdreg $0xFFFFFFFF  }
0xc1: {  	_ =	task.clear_ibuf [dreg:s7], $0x2FFFF;
	_ =	strace $0x9FFFFFFF  }
0xc2: {  	(tm) =	ssettm $0x7FFFFFFF  }
0xc3: {  	_ =	shalt  }
tec
execute0_lowered:
.L_overlay_start_1:
0x0: {  	(tag) =	ssettag $0x1  }
0x1: {  	s0 =	srdreg.scid;
	s3 =	rddreg [dreg:$0x0]  }
0x2: {  	s5 =	rddreg [dreg:$0x1];
	s4 =	sand.u32 $0x1, s0  }
0x3: {  	s1 =	stileid.u32;
	s8 =	simm.s32 $0x0;
	s2 =	sshll.u32 s4, $0x4  }
0x4: {  	s4 =	ssub.s32 $0x2, s4;
	s6 =	sor.u32 s1, s2;
	s2 =	simm.s32 $0x0  }
0x5: {  	s7 =	sshrl.u32 s4, $0x1;
	s6 =	smul.u32 $0x500, s6;
	[smem:$0x7FF] =	sst s2  }
0x6: {  	s0 =	rddreg [dreg:$0x2];
	s7 =	ssub.s32 s4, s7;
	_ =	strace $0x80000047  }
0x7: {  	s5 =	sadd.s32 s6, s5;
	s3 =	sadd.s32 s3, s6;
	s6 =	simm.s32 $0x1  }
0x8: {  	v0 =	vimm.f32 $0.0e+00;
	v1 =	vimm.f32 $1.000000000e+00;
	s4 =	sadd.s32 $0x15C00, s5;
	s5 =	smax.u32 s7, $0x1;
	s7 =	simm.s32 $0x2800  }
.LBB2_1:
0x9: {  	s9 =	simm.s32 $0x40;
	s10 =	simm.s32 $0x0  }
.LBB2_2:
0xa: {  	p0 =	sne.s32 s9, $0x9FC0;
	[tilespmem:s10+$0x2800] =	vst v0;
	s10 =	smov.u32 s9;
	s9 =	sadd.s32 $0x40, s9  }
.Ltmp0:
0xb: {  	(pc) =	sbr.rel @p0 .LBB2_2-.Ltmp0, $2  }
0xc: {  	_ =	sdelay $0x2  }
0xd: {  	s10 =	sshra.s32 s10, $0x2  }
0xe: {  	[tilespmem:s10+$0x2800] =	vst v0  }
0xf: {  	[tilespmem:s2], [sflag:$0x1] =	stream.linear.gather [hbm4b:s3+s2], $0x2800, $0x38;
	[tilespmem:$0x5000] =	vst v63  }
0x10: {  	_ =	swait.ge [sflag:s6], $0x2800  }
0x11: {  	[sflag:s6] =	ssyncset.done $0x0  }
0x12: {  	s9 =	simm.s32 $0x1C0;
	[sflag:s6] =	ssyncadd.s32 $0xFFFFD800  }
.LBB2_4:
0x13: {  	s10 =	sshra.s32 s9, $0x2  }
0x14: {  	v2 =	vld [tilespmem:s10+$0xFFFFFF90];
	_ =	sdelay $0x7  }
0x15: {  	[tilespmem:v2+s7+$0x0] =	vst.idx.add.f32.msk $0xffff, v1  }
0x16: {  	v2 =	vld [tilespmem:s10+$0xFFFFFFA0];
	_ =	sdelay $0x7  }
0x17: {  	[tilespmem:v2+s7+$0x0] =	vst.idx.add.f32.msk $0xffff, v1  }
0x18: {  	v2 =	vld [tilespmem:s10+$0xFFFFFFB0];
	_ =	sdelay $0x7  }
0x19: {  	[tilespmem:v2+s7+$0x0] =	vst.idx.add.f32.msk $0xffff, v1  }
0x1a: {  	v2 =	vld [tilespmem:s10+$0xFFFFFFC0];
	_ =	sdelay $0x7  }
0x1b: {  	[tilespmem:v2+s7+$0x0] =	vst.idx.add.f32.msk $0xffff, v1  }
0x1c: {  	v2 =	vld [tilespmem:s10+$0xFFFFFFD0];
	_ =	sdelay $0x7  }
0x1d: {  	[tilespmem:v2+s7+$0x0] =	vst.idx.add.f32.msk $0xffff, v1  }
0x1e: {  	v2 =	vld [tilespmem:s10+$0xFFFFFFE0];
	_ =	sdelay $0x7  }
0x1f: {  	[tilespmem:v2+s7+$0x0] =	vst.idx.add.f32.msk $0xffff, v1  }
0x20: {  	v2 =	vld [tilespmem:s10+$0xFFFFFFF0];
	_ =	sdelay $0x7  }
0x21: {  	[tilespmem:v2+s7+$0x0] =	vst.idx.add.f32.msk $0xffff, v1  }
0x22: {  	v2 =	vld [tilespmem:s10+$0x0];
	_ =	sdelay $0x2  }
0x23: {  	p0 =	sne.s32 s9, $0x9FC0  }
.Ltmp1:
0x24: {  	_ = 	snop;
	(pc) =	sbr.rel @p0 .LBB2_4-.Ltmp1, $2  }
0x25: {  	_ =	sdelay $0x2  }
0x26: {  	s9 =	sadd.s32 $0x200, s9;
	[tilespmem:v2+s7+$0x0] =	vst.idx.add.f32.msk $0xffff, v1  }
0x27: {  	s8 =	sadd.s32 $0x1, s8  }
0x28: {  	p0 =	sne.s32 s8, s5  }
.Ltmp2:
0x29: {  	_ = 	snop;
	(pc) =	sbr.rel @p0 .LBB2_1-.Ltmp2, $4  }
0x2a: {  	[hbm4b:s4+s2] =	stream.linear.scatter [tilespmem:s7], [sflag:$0x1], $0x2800, $0x38;
	[tilespmem:$0x5000] =	vst v63  }
0x2b: {  	_ =	swait.ge [sflag:s6], $0x2800  }
0x2c: {  	[sflag:s6] =	ssyncset.done $0x0  }
0x2d: {  	[sflag:s6] =	ssyncadd.s32 $0xFFFFD800  }
0x2e: {  	_ =	sfence.sel $0x180000  }
0x2f: {  	[bflag:$0x0] =	sbarrier.arrive $0xFFFF  }
0x30: {  	p0 =	sne.s32 s1, $0x0;
	_ =	strace $0x90000047  }
0x31: {  	s0 =	sadd.s32 @!p0 $0x100000, s0;
	[bflag:$0x2] =	sbarrier.arrive $0xFFFF  }
0x32: {  	[sflag:s0] =	ssyncadd.tile.s32 @!p0 $0x1;
	_ =	shalt  }
.Lfunc_end2:
_tile_overlayer_lowered:
.L_overlay_start_2:
0x33: {  	(tag) =	ssettag $0x2  }
0x34: {  	s0 =	rddreg [dreg:$0x0];
	s2 =	stileid.u32  }
0x35: {  	s1 =	rddreg [dreg:$0x1];
	p0 =	sne.s32 s2, $0x0  }
0x36: {  	s3 =	rddreg [dreg:$0x2];
	[bflag:$0x3] =	sbarrier.arrive $0xFFFF;
	s2 =	simm.s32 @!p0 $0x1C01  }
0x37: {  	[timem:s3], [sflag:s2] =	dma.local @!p0 [hbm:s0], s1  }
0x38: {  	s0 =	simm.s32 @!p0 $0x1  }
0x39: {  	_ =	swait.ge @!p0 [sflag:s0], s1  }
0x3a: {  	s1 =	ssub.s32 @!p0 $0x0, s1;
	[sflag:s0] =	ssyncset.done @!p0 $0x0  }
0x3b: {  	[sflag:s0] =	ssyncadd.s32 @!p0 s1  }
0x3c: {  	[bflag:$0x3] =	sbarrier.arrive $0xFFFF  }
0x3d: {  	_ =	shalt  }

</sc_bundles>
